<compile_context>
chip_gen: v7x
topology: tpu7x:2x2x1
jax: 0.10.2.dev20260603
libtpu: 0.0.44.dev20260713+nightly
codegen_flags: <defaults>
</compile_context>

<pallas_src>
import functools

import jax
import jax.numpy as jnp
from jax import lax
from jax.experimental import pallas as pl
from jax.experimental.pallas import tpu as pltpu
from jax.experimental.pallas import tpu_sc as plsc

N_ROWS = 1048576
NT = N_ROWS // 128
NW = 32
TILES_W = NT // NW
G = 64
NCH = TILES_W // G
L = 16


def _sc_rejection(eps3, prob, consts):
    mesh = plsc.VectorSubcoreMesh(core_axis_name="c", subcore_axis_name="s")

    @functools.partial(
        pl.kernel,
        mesh=mesh,
        compiler_params=pltpu.CompilerParams(
            needs_layout_passes=False, use_tc_tiling_on_sc=False,
            skip_device_barrier=True, disable_bounds_checks=True,
            disable_semaphore_checks=True),
        out_type=jax.ShapeDtypeStruct((NT, 2, 128), jnp.float32),
        scratch_types=[
            pltpu.VMEM((2, G, 2, 128), jnp.float32),
            pltpu.VMEM((2, G, 2, 128), jnp.float32),
            pltpu.VMEM((2, G * 128), jnp.float32),
            pltpu.VMEM((64,), jnp.float32),
            pltpu.SemaphoreType.DMA,
            pltpu.SemaphoreType.DMA,
            pltpu.SemaphoreType.DMA,
            pltpu.SemaphoreType.DMA,
            pltpu.SemaphoreType.DMA,
            pltpu.SemaphoreType.DMA,
        ],
    )
    def k(eps_hbm, prob_hbm, consts_hbm, out_hbm, ebuf, obuf, pbuf,
          cbuf, sie0, sie1, sip0, sip1, so0, so1):
        cid = lax.axis_index("c")
        sid = lax.axis_index("s")
        wid = sid * 2 + cid
        pltpu.sync_copy(consts_hbm, cbuf)
        s0 = cbuf[pl.ds(0, L)]
        s1 = cbuf[pl.ds(L, L)]
        t0 = cbuf[pl.ds(2 * L, L)]
        t1 = cbuf[pl.ds(3 * L, L)]
        tile0 = wid * TILES_W
        sie = (sie0, sie1)
        sip = (sip0, sip1)
        so = (so0, so1)

        def start_in(ci):
            b = ci % 2
            tbase = tile0 + ci * G
            cp_e = pltpu.async_copy(
                eps_hbm.at[pl.ds(tbase, G)], ebuf.at[b], sie[b])
            cp_p = pltpu.async_copy(
                prob_hbm.at[pl.ds(tbase * 128, G * 128)], pbuf.at[b], sip[b])
            return cp_e, cp_p

        def compute(ci):
            b = ci % 2

            @plsc.parallel_loop(0, G * 8, unroll=2)
            def body(i):
                t = i >> 3
                w = (i & 7) * L
                e0 = ebuf[b, t, 0, pl.ds(w, L)]
                e1 = ebuf[b, t, 1, pl.ds(w, L)]
                z0 = e0 * s0 + t0
                z1 = e1 * s1 + t1
                tot = z0 * z0 + z1 * z1
                p = pbuf[b, pl.ds(i * L, L)]
                acc = jnp.exp(tot * -0.5) > p
                zero = jnp.zeros((L,), jnp.float32)
                obuf[b, t, 0, pl.ds(w, L)] = jnp.where(acc, z0, zero)
                obuf[b, t, 1, pl.ds(w, L)] = jnp.where(acc, z1, zero)

        def start_out(ci):
            b = ci % 2
            tbase = tile0 + ci * G
            return pltpu.async_copy(
                obuf.at[b], out_hbm.at[pl.ds(tbase, G)], so[b])

        cps_in = {0: start_in(0), 1: start_in(1)}
        cps_out = {}
        for ci in range(NCH):
            cp_e, cp_p = cps_in.pop(ci)
            cp_e.wait()
            cp_p.wait()
            if ci >= 2:
                cps_out.pop(ci - 2).wait()
            compute(ci)
            cps_out[ci] = start_out(ci)
            if ci + 2 < NCH:
                cps_in[ci + 2] = start_in(ci + 2)
        cps_out.pop(NCH - 2).wait()
        cps_out.pop(NCH - 1).wait()

    return k(eps3, prob, consts)


def kernel(eps, prob, prop_scale, prop_shift):
    consts = jnp.repeat(
        jnp.concatenate([prop_scale, prop_shift]).astype(jnp.float32), 16)
    eps3 = eps.reshape(NT, 128, 2).transpose(0, 2, 1)
    out3 = _sc_rejection(eps3, prob, consts)
    return out3.transpose(0, 2, 1).reshape(N_ROWS, 2)

# --- scband reference (transcript-rebuilt; emitter-appended) ---
"""Pipeline reference for scband-target-26027501813917 (READ-ONLY COPY).

The authoritative reference and input builder live on the scoring server;
editing this copy changes nothing except your own understanding.
"""

import jax, jax.numpy as jnp
import numpy as np

N_STEPS = 1048576
N_DIMS = 2


def _log_prob(z):
    # Concrete standard-Gaussian log_prob (base class is abstract; this is the
    # canonical subclass behavior used for testing normalizing flows).
    d = z.shape[-1]
    return -0.5 * d * jnp.log(2.0 * jnp.pi) - 0.5 * jnp.sum(z * z, axis=-1)


def setup_inputs(seed: int = 0) -> dict:
    key = jax.random.key(seed)
    k1, k2 = jax.random.split(key)
    eps = jax.random.uniform(k1, (N_STEPS, N_DIMS), dtype=jnp.float32)
    prob = jax.random.uniform(k2, (N_STEPS,), dtype=jnp.float32)
    prop_scale = jnp.full((N_DIMS,), 6.0, dtype=jnp.float32)
    prop_shift = jnp.full((N_DIMS,), -3.0, dtype=jnp.float32)
    return {"eps": eps, "prob": prob, "prop_scale": prop_scale, "prop_shift": prop_shift}


def reference(eps, prob, prop_scale, prop_shift):
    # rejection_sampling: z_ = prop_scale * eps + prop_shift
    z_ = prop_scale * eps + prop_shift
    d = z_.shape[-1]
    max_log_prob = -0.5 * d * jnp.log(2.0 * jnp.pi)  # max of standard Gaussian log-density
    prob_ = jnp.exp(_log_prob(z_) - max_log_prob)
    accept = prob_ > prob
    # Fixed-shape analogue of z_[accept, :]: rejected rows zeroed (jit-friendly).
    z = jnp.where(accept[:, None], z_, jnp.zeros_like(z_))
    return z

if __name__ == "__main__":
    import jax
    _d = setup_inputs()
    print(jax.jit(kernel)(*tuple(_d.values())))

</pallas_src>

<mosaic_0001>
#map = affine_map<(d0, d1) -> (0, 0, 0)>
#map1 = affine_map<(d0, d1) -> (0)>
module attributes {stable_mosaic.version = 14 : i64} {
  func.func @k(%arg0: i32, %arg1: i32, %arg2: memref<8192x2x128xf32, #tpu.memory_space<hbm>>, %arg3: memref<1048576xf32, #tpu.memory_space<hbm>>, %arg4: memref<64xf32, #tpu.memory_space<hbm>>, %arg5: memref<8192x2x128xf32, #tpu.memory_space<hbm>>, %arg6: memref<2x64x2x128xf32, #tpu.memory_space<vmem>>, %arg7: memref<2x64x2x128xf32, #tpu.memory_space<vmem>>, %arg8: memref<2x8192xf32, #tpu.memory_space<vmem>>, %arg9: memref<64xf32, #tpu.memory_space<vmem>>, %arg10: memref<!tpu.dma_semaphore, #tpu.memory_space<semaphore_mem>>, %arg11: memref<!tpu.dma_semaphore, #tpu.memory_space<semaphore_mem>>, %arg12: memref<!tpu.dma_semaphore, #tpu.memory_space<semaphore_mem>>, %arg13: memref<!tpu.dma_semaphore, #tpu.memory_space<semaphore_mem>>, %arg14: memref<!tpu.dma_semaphore, #tpu.memory_space<semaphore_mem>>, %arg15: memref<!tpu.dma_semaphore, #tpu.memory_space<semaphore_mem>>) attributes {dimension_semantics = [#tpu.dimension_semantics<core_parallel>, #tpu.dimension_semantics<subcore_parallel>], iteration_bounds = array<i64: 2, 16>, scalar_prefetch = 0 : i64, scratch_operands = 10 : i64, tpu.core_type = #tpu.core_type<sc_vector_subcore>, window_params = [{transform_indices = #map}, {transform_indices = #map1}, {transform_indices = #map1}, {transform_indices = #map}]} {
    %mul3A = arith.constant 2 : i32
    %mul3A_0 = arith.muli %arg1, %mul3A : i32
    %add3A = arith.addi %mul3A_0, %arg0 : i32
    "tpu.region"() ({
      %run_scoped3A = tpu.sem_alloc : memref<!tpu.dma_semaphore, #tpu.memory_space<semaphore_mem>>
      tpu.enqueue_dma source(%arg4 : memref<64xf32, #tpu.memory_space<hbm>>) target(%arg9 : memref<64xf32, #tpu.memory_space<vmem>>) target_semaphore(%run_scoped3A : memref<!tpu.dma_semaphore, #tpu.memory_space<semaphore_mem>>)
      tpu.wait_dma2 semaphore(%run_scoped3A : memref<!tpu.dma_semaphore, #tpu.memory_space<semaphore_mem>>) src(%arg4 : memref<64xf32, #tpu.memory_space<hbm>>) dst(%arg9 : memref<64xf32, #tpu.memory_space<vmem>>)
      tpu.yield
    }) : () -> ()
    %get3A = arith.constant 0 : index
    %get3A_1 = tpu.vector_load %arg9[%get3A] {strides = array<i32>} : memref<64xf32, #tpu.memory_space<vmem>>, vector<16xf32>,
    %get3A_2 = arith.constant 16 : index
    %get3A_3 = tpu.vector_load %arg9[%get3A_2] {strides = array<i32>} : memref<64xf32, #tpu.memory_space<vmem>>, vector<16xf32>,
    %get3A_4 = arith.constant 32 : index
    %get3A_5 = tpu.vector_load %arg9[%get3A_4] {strides = array<i32>} : memref<64xf32, #tpu.memory_space<vmem>>, vector<16xf32>,
    %get3A_6 = arith.constant 48 : index
    %get3A_7 = tpu.vector_load %arg9[%get3A_6] {strides = array<i32>} : memref<64xf32, #tpu.memory_space<vmem>>, vector<16xf32>,
    %mul3A_8 = arith.constant 256 : i32
    %mul3A_9 = arith.muli %add3A, %mul3A_8 : i32
    %add3A_10 = arith.constant 0 : i32
    %add3A_11 = arith.addi %mul3A_9, %add3A_10 : i32
    %dma_start3A = arith.constant 0 : i32
    %dma_start3A_12 = arith.constant 0 : i32
    %dma_start3A_13 = arith.constant 0 : i32
    %dma_start3A_14 = arith.constant 0 : i32
    %dma_start3A_15 = tpu.memref_slice %arg6[%dma_start3A, %dma_start3A_12, %dma_start3A_13, %dma_start3A_14] : memref<2x64x2x128xf32, #tpu.memory_space<vmem>> -> memref<1x64x2x128xf32, #tpu.memory_space<vmem>>
    %dma_start3A_16 = tpu.memref_squeeze %dma_start3A_15 : memref<1x64x2x128xf32, #tpu.memory_space<vmem>> -> memref<64x2x128xf32, #tpu.memory_space<vmem>>
    %dma_start3A_17 = arith.constant 0 : i32
    %dma_start3A_18 = arith.constant 0 : i32
    %dma_start3A_19 = tpu.memref_slice %arg2[%add3A_11, %dma_start3A_17, %dma_start3A_18] : memref<8192x2x128xf32, #tpu.memory_space<hbm>> -> memref<64x2x128xf32, #tpu.memory_space<hbm>>
    %dma_start3A_20 = arith.constant 0 : i32
    %dma_start3A_21 = arith.constant 0 : i32
    %dma_start3A_22 = arith.constant 0 : i32
    %dma_start3A_23 = tpu.memref_slice %arg6[%dma_start3A, %dma_start3A_20, %dma_start3A_21, %dma_start3A_22] : memref<2x64x2x128xf32, #tpu.memory_space<vmem>> -> memref<1x64x2x128xf32, #tpu.memory_space<vmem>>
    %dma_start3A_24 = tpu.memref_squeeze %dma_start3A_23 : memref<1x64x2x128xf32, #tpu.memory_space<vmem>> -> memref<64x2x128xf32, #tpu.memory_space<vmem>>
    %dma_start3A_25 = arith.constant 0 : i32
    %dma_start3A_26 = arith.constant 0 : i32
    %dma_start3A_27 = tpu.memref_slice %arg2[%add3A_11, %dma_start3A_25, %dma_start3A_26] : memref<8192x2x128xf32, #tpu.memory_space<hbm>> -> memref<64x2x128xf32, #tpu.memory_space<hbm>>
    tpu.enqueue_dma source(%dma_start3A_27 : memref<64x2x128xf32, #tpu.memory_space<hbm>>) target(%dma_start3A_24 : memref<64x2x128xf32, #tpu.memory_space<vmem>>) target_semaphore(%arg10 : memref<!tpu.dma_semaphore, #tpu.memory_space<semaphore_mem>>)
    %mul3A_28 = arith.constant 128 : i32
    %mul3A_29 = arith.muli %add3A_11, %mul3A_28 : i32
    %dma_start3A_30 = arith.constant 0 : i32
    %dma_start3A_31 = arith.constant 0 : i32
    %dma_start3A_32 = tpu.memref_slice %arg8[%dma_start3A_30, %dma_start3A_31] : memref<2x8192xf32, #tpu.memory_space<vmem>> -> memref<1x8192xf32, #tpu.memory_space<vmem>>
    %dma_start3A_33 = tpu.memref_squeeze %dma_start3A_32 : memref<1x8192xf32, #tpu.memory_space<vmem>> -> memref<8192xf32, #tpu.memory_space<vmem>>
    %dma_start3A_34 = tpu.memref_slice %arg3[%mul3A_29] : memref<1048576xf32, #tpu.memory_space<hbm>> -> memref<8192xf32, #tpu.memory_space<hbm>>
    %dma_start3A_35 = arith.constant 0 : i32
    %dma_start3A_36 = tpu.memref_slice %arg8[%dma_start3A_30, %dma_start3A_35] : memref<2x8192xf32, #tpu.memory_space<vmem>> -> memref<1x8192xf32, #tpu.memory_space<vmem>>
    %dma_start3A_37 = tpu.memref_squeeze %dma_start3A_36 : memref<1x8192xf32, #tpu.memory_space<vmem>> -> memref<8192xf32, #tpu.memory_space<vmem>>
    %dma_start3A_38 = tpu.memref_slice %arg3[%mul3A_29] : memref<1048576xf32, #tpu.memory_space<hbm>> -> memref<8192xf32, #tpu.memory_space<hbm>>
    tpu.enqueue_dma source(%dma_start3A_38 : memref<8192xf32, #tpu.memory_space<hbm>>) target(%dma_start3A_37 : memref<8192xf32, #tpu.memory_space<vmem>>) target_semaphore(%arg12 : memref<!tpu.dma_semaphore, #tpu.memory_space<semaphore_mem>>)
    %add3A_39 = arith.constant 64 : i32
    %add3A_40 = arith.addi %mul3A_9, %add3A_39 : i32
    %dma_start3A_41 = arith.constant 1 : i32
    %dma_start3A_42 = arith.constant 0 : i32
    %dma_start3A_43 = arith.constant 0 : i32
    %dma_start3A_44 = arith.constant 0 : i32
    %dma_start3A_45 = tpu.memref_slice %arg6[%dma_start3A_41, %dma_start3A_42, %dma_start3A_43, %dma_start3A_44] : memref<2x64x2x128xf32, #tpu.memory_space<vmem>> -> memref<1x64x2x128xf32, #tpu.memory_space<vmem>>
    %dma_start3A_46 = tpu.memref_squeeze %dma_start3A_45 : memref<1x64x2x128xf32, #tpu.memory_space<vmem>> -> memref<64x2x128xf32, #tpu.memory_space<vmem>>
    %dma_start3A_47 = arith.constant 0 : i32
    %dma_start3A_48 = arith.constant 0 : i32
    %dma_start3A_49 = tpu.memref_slice %arg2[%add3A_40, %dma_start3A_47, %dma_start3A_48] : memref<8192x2x128xf32, #tpu.memory_space<hbm>> -> memref<64x2x128xf32, #tpu.memory_space<hbm>>
    %dma_start3A_50 = arith.constant 0 : i32
    %dma_start3A_51 = arith.constant 0 : i32
    %dma_start3A_52 = arith.constant 0 : i32
    %dma_start3A_53 = tpu.memref_slice %arg6[%dma_start3A_41, %dma_start3A_50, %dma_start3A_51, %dma_start3A_52] : memref<2x64x2x128xf32, #tpu.memory_space<vmem>> -> memref<1x64x2x128xf32, #tpu.memory_space<vmem>>
    %dma_start3A_54 = tpu.memref_squeeze %dma_start3A_53 : memref<1x64x2x128xf32, #tpu.memory_space<vmem>> -> memref<64x2x128xf32, #tpu.memory_space<vmem>>
    %dma_start3A_55 = arith.constant 0 : i32
    %dma_start3A_56 = arith.constant 0 : i32
    %dma_start3A_57 = tpu.memref_slice %arg2[%add3A_40, %dma_start3A_55, %dma_start3A_56] : memref<8192x2x128xf32, #tpu.memory_space<hbm>> -> memref<64x2x128xf32, #tpu.memory_space<hbm>>
    tpu.enqueue_dma source(%dma_start3A_57 : memref<64x2x128xf32, #tpu.memory_space<hbm>>) target(%dma_start3A_54 : memref<64x2x128xf32, #tpu.memory_space<vmem>>) target_semaphore(%arg11 : memref<!tpu.dma_semaphore, #tpu.memory_space<semaphore_mem>>)
    %mul3A_58 = arith.constant 128 : i32
    %mul3A_59 = arith.muli %add3A_40, %mul3A_58 : i32
    %dma_start3A_60 = arith.constant 1 : i32
    %dma_start3A_61 = arith.constant 0 : i32
    %dma_start3A_62 = tpu.memref_slice %arg8[%dma_start3A_60, %dma_start3A_61] : memref<2x8192xf32, #tpu.memory_space<vmem>> -> memref<1x8192xf32, #tpu.memory_space<vmem>>
    %dma_start3A_63 = tpu.memref_squeeze %dma_start3A_62 : memref<1x8192xf32, #tpu.memory_space<vmem>> -> memref<8192xf32, #tpu.memory_space<vmem>>
    %dma_start3A_64 = tpu.memref_slice %arg3[%mul3A_59] : memref<1048576xf32, #tpu.memory_space<hbm>> -> memref<8192xf32, #tpu.memory_space<hbm>>
    %dma_start3A_65 = arith.constant 0 : i32
    %dma_start3A_66 = tpu.memref_slice %arg8[%dma_start3A_60, %dma_start3A_65] : memref<2x8192xf32, #tpu.memory_space<vmem>> -> memref<1x8192xf32, #tpu.memory_space<vmem>>
    %dma_start3A_67 = tpu.memref_squeeze %dma_start3A_66 : memref<1x8192xf32, #tpu.memory_space<vmem>> -> memref<8192xf32, #tpu.memory_space<vmem>>
    %dma_start3A_68 = tpu.memref_slice %arg3[%mul3A_59] : memref<1048576xf32, #tpu.memory_space<hbm>> -> memref<8192xf32, #tpu.memory_space<hbm>>
    tpu.enqueue_dma source(%dma_start3A_68 : memref<8192xf32, #tpu.memory_space<hbm>>) target(%dma_start3A_67 : memref<8192xf32, #tpu.memory_space<vmem>>) target_semaphore(%arg13 : memref<!tpu.dma_semaphore, #tpu.memory_space<semaphore_mem>>)
    %dma_wait3A = arith.constant 0 : i32
    %dma_wait3A_69 = arith.constant 0 : i32
    %dma_wait3A_70 = arith.constant 0 : i32
    %dma_wait3A_71 = arith.constant 0 : i32
    %dma_wait3A_72 = tpu.memref_slice %arg6[%dma_wait3A, %dma_wait3A_69, %dma_wait3A_70, %dma_wait3A_71] : memref<2x64x2x128xf32, #tpu.memory_space<vmem>> -> memref<1x64x2x128xf32, #tpu.memory_space<vmem>>
    %dma_wait3A_73 = tpu.memref_squeeze %dma_wait3A_72 : memref<1x64x2x128xf32, #tpu.memory_space<vmem>> -> memref<64x2x128xf32, #tpu.memory_space<vmem>>
    %dma_wait3A_74 = arith.constant 0 : i32
    %dma_wait3A_75 = arith.constant 0 : i32
    %dma_wait3A_76 = tpu.memref_slice %arg2[%add3A_11, %dma_wait3A_74, %dma_wait3A_75] : memref<8192x2x128xf32, #tpu.memory_space<hbm>> -> memref<64x2x128xf32, #tpu.memory_space<hbm>>
    %dma_wait3A_77 = arith.constant 0 : i32
    %dma_wait3A_78 = arith.constant 0 : i32
    %dma_wait3A_79 = arith.constant 0 : i32
    %dma_wait3A_80 = tpu.memref_slice %arg6[%dma_wait3A, %dma_wait3A_77, %dma_wait3A_78, %dma_wait3A_79] : memref<2x64x2x128xf32, #tpu.memory_space<vmem>> -> memref<1x64x2x128xf32, #tpu.memory_space<vmem>>
    %dma_wait3A_81 = tpu.memref_squeeze %dma_wait3A_80 : memref<1x64x2x128xf32, #tpu.memory_space<vmem>> -> memref<64x2x128xf32, #tpu.memory_space<vmem>>
    %dma_wait3A_82 = arith.constant 0 : i32
    %dma_wait3A_83 = arith.constant 0 : i32
    %dma_wait3A_84 = tpu.memref_slice %arg2[%add3A_11, %dma_wait3A_82, %dma_wait3A_83] : memref<8192x2x128xf32, #tpu.memory_space<hbm>> -> memref<64x2x128xf32, #tpu.memory_space<hbm>>
    tpu.wait_dma2 semaphore(%arg10 : memref<!tpu.dma_semaphore, #tpu.memory_space<semaphore_mem>>) src(%dma_wait3A_84 : memref<64x2x128xf32, #tpu.memory_space<hbm>>) dst(%dma_wait3A_81 : memref<64x2x128xf32, #tpu.memory_space<vmem>>)
    %dma_wait3A_85 = arith.constant 0 : i32
    %dma_wait3A_86 = arith.constant 0 : i32
    %dma_wait3A_87 = tpu.memref_slice %arg8[%dma_wait3A_85, %dma_wait3A_86] : memref<2x8192xf32, #tpu.memory_space<vmem>> -> memref<1x8192xf32, #tpu.memory_space<vmem>>
    %dma_wait3A_88 = tpu.memref_squeeze %dma_wait3A_87 : memref<1x8192xf32, #tpu.memory_space<vmem>> -> memref<8192xf32, #tpu.memory_space<vmem>>
    %dma_wait3A_89 = tpu.memref_slice %arg3[%mul3A_29] : memref<1048576xf32, #tpu.memory_space<hbm>> -> memref<8192xf32, #tpu.memory_space<hbm>>
    %dma_wait3A_90 = arith.constant 0 : i32
    %dma_wait3A_91 = tpu.memref_slice %arg8[%dma_wait3A_85, %dma_wait3A_90] : memref<2x8192xf32, #tpu.memory_space<vmem>> -> memref<1x8192xf32, #tpu.memory_space<vmem>>
    %dma_wait3A_92 = tpu.memref_squeeze %dma_wait3A_91 : memref<1x8192xf32, #tpu.memory_space<vmem>> -> memref<8192xf32, #tpu.memory_space<vmem>>
    %dma_wait3A_93 = tpu.memref_slice %arg3[%mul3A_29] : memref<1048576xf32, #tpu.memory_space<hbm>> -> memref<8192xf32, #tpu.memory_space<hbm>>
    tpu.wait_dma2 semaphore(%arg12 : memref<!tpu.dma_semaphore, #tpu.memory_space<semaphore_mem>>) src(%dma_wait3A_93 : memref<8192xf32, #tpu.memory_space<hbm>>) dst(%dma_wait3A_92 : memref<8192xf32, #tpu.memory_space<vmem>>)
    %parallel_loop3A = arith.constant 0 : i32
    %parallel_loop3A_94 = arith.constant 512 : i32
    %parallel_loop3A_95 = arith.constant 1 : i32
    scf.for %parallel_loop3A_387 = %parallel_loop3A to %parallel_loop3A_94 step %parallel_loop3A_95  : i32 {
      %parallel_loop3A_388 = arith.constant 3 : i32
      %parallel_loop3A_389 = arith.shrsi %parallel_loop3A_387, %parallel_loop3A_388 : i32
      %parallel_loop3A_390 = arith.constant 7 : i32
      %parallel_loop3A_391 = arith.andi %parallel_loop3A_387, %parallel_loop3A_390 : i32
      %parallel_loop3A_392 = arith.constant 16 : i32
      %parallel_loop3A_393 = arith.muli %parallel_loop3A_391, %parallel_loop3A_392 : i32
      %parallel_loop3A_394 = arith.constant 0 : i32
      %parallel_loop3A_395 = arith.constant 0 : i32
      %parallel_loop3A_396 = arith.index_cast %parallel_loop3A_394 : i32 to index
      %parallel_loop3A_397 = arith.index_cast %parallel_loop3A_389 : i32 to index
      %parallel_loop3A_398 = arith.index_cast %parallel_loop3A_395 : i32 to index
      %parallel_loop3A_399 = arith.index_cast %parallel_loop3A_393 : i32 to index
      %parallel_loop3A_400 = tpu.vector_load %arg6[%parallel_loop3A_396, %parallel_loop3A_397, %parallel_loop3A_398, %parallel_loop3A_399] {strides = array<i32>} : memref<2x64x2x128xf32, #tpu.memory_space<vmem>>, vector<16xf32>,
      %parallel_loop3A_401 = arith.constant 0 : i32
      %parallel_loop3A_402 = arith.constant 1 : i32
      %parallel_loop3A_403 = arith.index_cast %parallel_loop3A_401 : i32 to index
      %parallel_loop3A_404 = arith.index_cast %parallel_loop3A_389 : i32 to index
      %parallel_loop3A_405 = arith.index_cast %parallel_loop3A_402 : i32 to index
      %parallel_loop3A_406 = arith.index_cast %parallel_loop3A_393 : i32 to index
      %parallel_loop3A_407 = tpu.vector_load %arg6[%parallel_loop3A_403, %parallel_loop3A_404, %parallel_loop3A_405, %parallel_loop3A_406] {strides = array<i32>} : memref<2x64x2x128xf32, #tpu.memory_space<vmem>>, vector<16xf32>,
      %parallel_loop3A_408 = arith.mulf %parallel_loop3A_400, %get3A_1 : vector<16xf32>
      %parallel_loop3A_409 = arith.addf %parallel_loop3A_408, %get3A_5 : vector<16xf32>
      %parallel_loop3A_410 = arith.mulf %parallel_loop3A_407, %get3A_3 : vector<16xf32>
      %parallel_loop3A_411 = arith.addf %parallel_loop3A_410, %get3A_7 : vector<16xf32>
      %parallel_loop3A_412 = arith.mulf %parallel_loop3A_409, %parallel_loop3A_409 : vector<16xf32>
      %parallel_loop3A_413 = arith.mulf %parallel_loop3A_411, %parallel_loop3A_411 : vector<16xf32>
      %parallel_loop3A_414 = arith.addf %parallel_loop3A_412, %parallel_loop3A_413 : vector<16xf32>
      %parallel_loop3A_415 = arith.constant 16 : i32
      %parallel_loop3A_416 = arith.muli %parallel_loop3A_387, %parallel_loop3A_415 : i32
      %parallel_loop3A_417 = arith.constant 0 : i32
      %parallel_loop3A_418 = arith.index_cast %parallel_loop3A_417 : i32 to index
      %parallel_loop3A_419 = arith.index_cast %parallel_loop3A_416 : i32 to index
      %parallel_loop3A_420 = tpu.vector_load %arg8[%parallel_loop3A_418, %parallel_loop3A_419] {strides = array<i32>} : memref<2x8192xf32, #tpu.memory_space<vmem>>, vector<16xf32>,
      %parallel_loop3A_421 = arith.constant -5.000000e-01 : f32
      %parallel_loop3A_422 = vector.broadcast %parallel_loop3A_421 : f32 to vector<16xf32>
      %parallel_loop3A_423 = arith.mulf %parallel_loop3A_414, %parallel_loop3A_422 : vector<16xf32>
      %parallel_loop3A_424 = math.exp %parallel_loop3A_423 : vector<16xf32>
      %parallel_loop3A_425 = arith.cmpf ogt, %parallel_loop3A_424, %parallel_loop3A_420 : vector<16xf32>
      %parallel_loop3A_426 = arith.constant 0.000000e+00 : f32
      %parallel_loop3A_427 = vector.broadcast %parallel_loop3A_426 : f32 to vector<16xf32>
      %parallel_loop3A_428 = arith.select %parallel_loop3A_425, %parallel_loop3A_409, %parallel_loop3A_427 : vector<16xi1>, vector<16xf32>
      %parallel_loop3A_429 = arith.constant 0 : i32
      %parallel_loop3A_430 = arith.constant 0 : i32
      %parallel_loop3A_431 = arith.index_cast %parallel_loop3A_429 : i32 to index
      %parallel_loop3A_432 = arith.index_cast %parallel_loop3A_389 : i32 to index
      %parallel_loop3A_433 = arith.index_cast %parallel_loop3A_430 : i32 to index
      %parallel_loop3A_434 = arith.index_cast %parallel_loop3A_393 : i32 to index
      %parallel_loop3A_435 = tpu.vector_load %arg7[%parallel_loop3A_431, %parallel_loop3A_432, %parallel_loop3A_433, %parallel_loop3A_434] {strides = array<i32>} : memref<2x64x2x128xf32, #tpu.memory_space<vmem>>, vector<16xf32>,
      tpu.vector_store %arg7[%parallel_loop3A_431, %parallel_loop3A_432, %parallel_loop3A_433, %parallel_loop3A_434], %parallel_loop3A_428 {strides = array<i32>} : memref<2x64x2x128xf32, #tpu.memory_space<vmem>>, vector<16xf32>,
      %parallel_loop3A_436 = arith.select %parallel_loop3A_425, %parallel_loop3A_411, %parallel_loop3A_427 : vector<16xi1>, vector<16xf32>
      %parallel_loop3A_437 = arith.constant 0 : i32
      %parallel_loop3A_438 = arith.constant 1 : i32
      %parallel_loop3A_439 = arith.index_cast %parallel_loop3A_437 : i32 to index
      %parallel_loop3A_440 = arith.index_cast %parallel_loop3A_389 : i32 to index
      %parallel_loop3A_441 = arith.index_cast %parallel_loop3A_438 : i32 to index
      %parallel_loop3A_442 = arith.index_cast %parallel_loop3A_393 : i32 to index
      %parallel_loop3A_443 = tpu.vector_load %arg7[%parallel_loop3A_439, %parallel_loop3A_440, %parallel_loop3A_441, %parallel_loop3A_442] {strides = array<i32>} : memref<2x64x2x128xf32, #tpu.memory_space<vmem>>, vector<16xf32>,
      tpu.vector_store %arg7[%parallel_loop3A_439, %parallel_loop3A_440, %parallel_loop3A_441, %parallel_loop3A_442], %parallel_loop3A_436 {strides = array<i32>} : memref<2x64x2x128xf32, #tpu.memory_space<vmem>>, vector<16xf32>,
    } {sc.loop_unroll_factor = 2 : i64, sc.parallel_access}
    %add3A_96 = arith.constant 0 : i32
    %add3A_97 = arith.addi %mul3A_9, %add3A_96 : i32
    %dma_start3A_98 = arith.constant 0 : i32
    %dma_start3A_99 = arith.constant 0 : i32
    %dma_start3A_100 = arith.constant 0 : i32
    %dma_start3A_101 = arith.constant 0 : i32
    %dma_start3A_102 = tpu.memref_slice %arg7[%dma_start3A_98, %dma_start3A_99, %dma_start3A_100, %dma_start3A_101] : memref<2x64x2x128xf32, #tpu.memory_space<vmem>> -> memref<1x64x2x128xf32, #tpu.memory_space<vmem>>
    %dma_start3A_103 = tpu.memref_squeeze %dma_start3A_102 : memref<1x64x2x128xf32, #tpu.memory_space<vmem>> -> memref<64x2x128xf32, #tpu.memory_space<vmem>>
    %dma_start3A_104 = arith.constant 0 : i32
    %dma_start3A_105 = arith.constant 0 : i32
    %dma_start3A_106 = tpu.memref_slice %arg5[%add3A_97, %dma_start3A_104, %dma_start3A_105] : memref<8192x2x128xf32, #tpu.memory_space<hbm>> -> memref<64x2x128xf32, #tpu.memory_space<hbm>>
    %dma_start3A_107 = arith.constant 0 : i32
    %dma_start3A_108 = arith.constant 0 : i32
    %dma_start3A_109 = tpu.memref_slice %arg5[%add3A_97, %dma_start3A_107, %dma_start3A_108] : memref<8192x2x128xf32, #tpu.memory_space<hbm>> -> memref<64x2x128xf32, #tpu.memory_space<hbm>>
    %dma_start3A_110 = arith.constant 0 : i32
    %dma_start3A_111 = arith.constant 0 : i32
    %dma_start3A_112 = arith.constant 0 : i32
    %dma_start3A_113 = tpu.memref_slice %arg7[%dma_start3A_98, %dma_start3A_110, %dma_start3A_111, %dma_start3A_112] : memref<2x64x2x128xf32, #tpu.memory_space<vmem>> -> memref<1x64x2x128xf32, #tpu.memory_space<vmem>>
    %dma_start3A_114 = tpu.memref_squeeze %dma_start3A_113 : memref<1x64x2x128xf32, #tpu.memory_space<vmem>> -> memref<64x2x128xf32, #tpu.memory_space<vmem>>
    tpu.enqueue_dma source(%dma_start3A_114 : memref<64x2x128xf32, #tpu.memory_space<vmem>>) target(%dma_start3A_109 : memref<64x2x128xf32, #tpu.memory_space<hbm>>) target_semaphore(%arg14 : memref<!tpu.dma_semaphore, #tpu.memory_space<semaphore_mem>>)
    %add3A_115 = arith.constant 128 : i32
    %add3A_116 = arith.addi %mul3A_9, %add3A_115 : i32
    %dma_start3A_117 = arith.constant 0 : i32
    %dma_start3A_118 = arith.constant 0 : i32
    %dma_start3A_119 = arith.constant 0 : i32
    %dma_start3A_120 = arith.constant 0 : i32
    %dma_start3A_121 = tpu.memref_slice %arg6[%dma_start3A_117, %dma_start3A_118, %dma_start3A_119, %dma_start3A_120] : memref<2x64x2x128xf32, #tpu.memory_space<vmem>> -> memref<1x64x2x128xf32, #tpu.memory_space<vmem>>
    %dma_start3A_122 = tpu.memref_squeeze %dma_start3A_121 : memref<1x64x2x128xf32, #tpu.memory_space<vmem>> -> memref<64x2x128xf32, #tpu.memory_space<vmem>>
    %dma_start3A_123 = arith.constant 0 : i32
    %dma_start3A_124 = arith.constant 0 : i32
    %dma_start3A_125 = tpu.memref_slice %arg2[%add3A_116, %dma_start3A_123, %dma_start3A_124] : memref<8192x2x128xf32, #tpu.memory_space<hbm>> -> memref<64x2x128xf32, #tpu.memory_space<hbm>>
    %dma_start3A_126 = arith.constant 0 : i32
    %dma_start3A_127 = arith.constant 0 : i32
    %dma_start3A_128 = arith.constant 0 : i32
    %dma_start3A_129 = tpu.memref_slice %arg6[%dma_start3A_117, %dma_start3A_126, %dma_start3A_127, %dma_start3A_128] : memref<2x64x2x128xf32, #tpu.memory_space<vmem>> -> memref<1x64x2x128xf32, #tpu.memory_space<vmem>>
    %dma_start3A_130 = tpu.memref_squeeze %dma_start3A_129 : memref<1x64x2x128xf32, #tpu.memory_space<vmem>> -> memref<64x2x128xf32, #tpu.memory_space<vmem>>
    %dma_start3A_131 = arith.constant 0 : i32
    %dma_start3A_132 = arith.constant 0 : i32
    %dma_start3A_133 = tpu.memref_slice %arg2[%add3A_116, %dma_start3A_131, %dma_start3A_132] : memref<8192x2x128xf32, #tpu.memory_space<hbm>> -> memref<64x2x128xf32, #tpu.memory_space<hbm>>
    tpu.enqueue_dma source(%dma_start3A_133 : memref<64x2x128xf32, #tpu.memory_space<hbm>>) target(%dma_start3A_130 : memref<64x2x128xf32, #tpu.memory_space<vmem>>) target_semaphore(%arg10 : memref<!tpu.dma_semaphore, #tpu.memory_space<semaphore_mem>>)
    %mul3A_134 = arith.constant 128 : i32
    %mul3A_135 = arith.muli %add3A_116, %mul3A_134 : i32
    %dma_start3A_136 = arith.constant 0 : i32
    %dma_start3A_137 = arith.constant 0 : i32
    %dma_start3A_138 = tpu.memref_slice %arg8[%dma_start3A_136, %dma_start3A_137] : memref<2x8192xf32, #tpu.memory_space<vmem>> -> memref<1x8192xf32, #tpu.memory_space<vmem>>
    %dma_start3A_139 = tpu.memref_squeeze %dma_start3A_138 : memref<1x8192xf32, #tpu.memory_space<vmem>> -> memref<8192xf32, #tpu.memory_space<vmem>>
    %dma_start3A_140 = tpu.memref_slice %arg3[%mul3A_135] : memref<1048576xf32, #tpu.memory_space<hbm>> -> memref<8192xf32, #tpu.memory_space<hbm>>
    %dma_start3A_141 = arith.constant 0 : i32
    %dma_start3A_142 = tpu.memref_slice %arg8[%dma_start3A_136, %dma_start3A_141] : memref<2x8192xf32, #tpu.memory_space<vmem>> -> memref<1x8192xf32, #tpu.memory_space<vmem>>
    %dma_start3A_143 = tpu.memref_squeeze %dma_start3A_142 : memref<1x8192xf32, #tpu.memory_space<vmem>> -> memref<8192xf32, #tpu.memory_space<vmem>>
    %dma_start3A_144 = tpu.memref_slice %arg3[%mul3A_135] : memref<1048576xf32, #tpu.memory_space<hbm>> -> memref<8192xf32, #tpu.memory_space<hbm>>
    tpu.enqueue_dma source(%dma_start3A_144 : memref<8192xf32, #tpu.memory_space<hbm>>) target(%dma_start3A_143 : memref<8192xf32, #tpu.memory_space<vmem>>) target_semaphore(%arg12 : memref<!tpu.dma_semaphore, #tpu.memory_space<semaphore_mem>>)
    %dma_wait3A_145 = arith.constant 1 : i32
    %dma_wait3A_146 = arith.constant 0 : i32
    %dma_wait3A_147 = arith.constant 0 : i32
    %dma_wait3A_148 = arith.constant 0 : i32
    %dma_wait3A_149 = tpu.memref_slice %arg6[%dma_wait3A_145, %dma_wait3A_146, %dma_wait3A_147, %dma_wait3A_148] : memref<2x64x2x128xf32, #tpu.memory_space<vmem>> -> memref<1x64x2x128xf32, #tpu.memory_space<vmem>>
    %dma_wait3A_150 = tpu.memref_squeeze %dma_wait3A_149 : memref<1x64x2x128xf32, #tpu.memory_space<vmem>> -> memref<64x2x128xf32, #tpu.memory_space<vmem>>
    %dma_wait3A_151 = arith.constant 0 : i32
    %dma_wait3A_152 = arith.constant 0 : i32
    %dma_wait3A_153 = tpu.memref_slice %arg2[%add3A_40, %dma_wait3A_151, %dma_wait3A_152] : memref<8192x2x128xf32, #tpu.memory_space<hbm>> -> memref<64x2x128xf32, #tpu.memory_space<hbm>>
    %dma_wait3A_154 = arith.constant 0 : i32
    %dma_wait3A_155 = arith.constant 0 : i32
    %dma_wait3A_156 = arith.constant 0 : i32
    %dma_wait3A_157 = tpu.memref_slice %arg6[%dma_wait3A_145, %dma_wait3A_154, %dma_wait3A_155, %dma_wait3A_156] : memref<2x64x2x128xf32, #tpu.memory_space<vmem>> -> memref<1x64x2x128xf32, #tpu.memory_space<vmem>>
    %dma_wait3A_158 = tpu.memref_squeeze %dma_wait3A_157 : memref<1x64x2x128xf32, #tpu.memory_space<vmem>> -> memref<64x2x128xf32, #tpu.memory_space<vmem>>
    %dma_wait3A_159 = arith.constant 0 : i32
    %dma_wait3A_160 = arith.constant 0 : i32
    %dma_wait3A_161 = tpu.memref_slice %arg2[%add3A_40, %dma_wait3A_159, %dma_wait3A_160] : memref<8192x2x128xf32, #tpu.memory_space<hbm>> -> memref<64x2x128xf32, #tpu.memory_space<hbm>>
    tpu.wait_dma2 semaphore(%arg11 : memref<!tpu.dma_semaphore, #tpu.memory_space<semaphore_mem>>) src(%dma_wait3A_161 : memref<64x2x128xf32, #tpu.memory_space<hbm>>) dst(%dma_wait3A_158 : memref<64x2x128xf32, #tpu.memory_space<vmem>>)
    %dma_wait3A_162 = arith.constant 1 : i32
    %dma_wait3A_163 = arith.constant 0 : i32
    %dma_wait3A_164 = tpu.memref_slice %arg8[%dma_wait3A_162, %dma_wait3A_163] : memref<2x8192xf32, #tpu.memory_space<vmem>> -> memref<1x8192xf32, #tpu.memory_space<vmem>>
    %dma_wait3A_165 = tpu.memref_squeeze %dma_wait3A_164 : memref<1x8192xf32, #tpu.memory_space<vmem>> -> memref<8192xf32, #tpu.memory_space<vmem>>
    %dma_wait3A_166 = tpu.memref_slice %arg3[%mul3A_59] : memref<1048576xf32, #tpu.memory_space<hbm>> -> memref<8192xf32, #tpu.memory_space<hbm>>
    %dma_wait3A_167 = arith.constant 0 : i32
    %dma_wait3A_168 = tpu.memref_slice %arg8[%dma_wait3A_162, %dma_wait3A_167] : memref<2x8192xf32, #tpu.memory_space<vmem>> -> memref<1x8192xf32, #tpu.memory_space<vmem>>
    %dma_wait3A_169 = tpu.memref_squeeze %dma_wait3A_168 : memref<1x8192xf32, #tpu.memory_space<vmem>> -> memref<8192xf32, #tpu.memory_space<vmem>>
    %dma_wait3A_170 = tpu.memref_slice %arg3[%mul3A_59] : memref<1048576xf32, #tpu.memory_space<hbm>> -> memref<8192xf32, #tpu.memory_space<hbm>>
    tpu.wait_dma2 semaphore(%arg13 : memref<!tpu.dma_semaphore, #tpu.memory_space<semaphore_mem>>) src(%dma_wait3A_170 : memref<8192xf32, #tpu.memory_space<hbm>>) dst(%dma_wait3A_169 : memref<8192xf32, #tpu.memory_space<vmem>>)
    %parallel_loop3A_171 = arith.constant 0 : i32
    %parallel_loop3A_172 = arith.constant 512 : i32
    %parallel_loop3A_173 = arith.constant 1 : i32
    scf.for %parallel_loop3A_387 = %parallel_loop3A_171 to %parallel_loop3A_172 step %parallel_loop3A_173  : i32 {
      %parallel_loop3A_388 = arith.constant 3 : i32
      %parallel_loop3A_389 = arith.shrsi %parallel_loop3A_387, %parallel_loop3A_388 : i32
      %parallel_loop3A_390 = arith.constant 7 : i32
      %parallel_loop3A_391 = arith.andi %parallel_loop3A_387, %parallel_loop3A_390 : i32
      %parallel_loop3A_392 = arith.constant 16 : i32
      %parallel_loop3A_393 = arith.muli %parallel_loop3A_391, %parallel_loop3A_392 : i32
      %parallel_loop3A_394 = arith.constant 1 : i32
      %parallel_loop3A_395 = arith.constant 0 : i32
      %parallel_loop3A_396 = arith.index_cast %parallel_loop3A_394 : i32 to index
      %parallel_loop3A_397 = arith.index_cast %parallel_loop3A_389 : i32 to index
      %parallel_loop3A_398 = arith.index_cast %parallel_loop3A_395 : i32 to index
      %parallel_loop3A_399 = arith.index_cast %parallel_loop3A_393 : i32 to index
      %parallel_loop3A_400 = tpu.vector_load %arg6[%parallel_loop3A_396, %parallel_loop3A_397, %parallel_loop3A_398, %parallel_loop3A_399] {strides = array<i32>} : memref<2x64x2x128xf32, #tpu.memory_space<vmem>>, vector<16xf32>,
      %parallel_loop3A_401 = arith.constant 1 : i32
      %parallel_loop3A_402 = arith.constant 1 : i32
      %parallel_loop3A_403 = arith.index_cast %parallel_loop3A_401 : i32 to index
      %parallel_loop3A_404 = arith.index_cast %parallel_loop3A_389 : i32 to index
      %parallel_loop3A_405 = arith.index_cast %parallel_loop3A_402 : i32 to index
      %parallel_loop3A_406 = arith.index_cast %parallel_loop3A_393 : i32 to index
      %parallel_loop3A_407 = tpu.vector_load %arg6[%parallel_loop3A_403, %parallel_loop3A_404, %parallel_loop3A_405, %parallel_loop3A_406] {strides = array<i32>} : memref<2x64x2x128xf32, #tpu.memory_space<vmem>>, vector<16xf32>,
      %parallel_loop3A_408 = arith.mulf %parallel_loop3A_400, %get3A_1 : vector<16xf32>
      %parallel_loop3A_409 = arith.addf %parallel_loop3A_408, %get3A_5 : vector<16xf32>
      %parallel_loop3A_410 = arith.mulf %parallel_loop3A_407, %get3A_3 : vector<16xf32>
      %parallel_loop3A_411 = arith.addf %parallel_loop3A_410, %get3A_7 : vector<16xf32>
      %parallel_loop3A_412 = arith.mulf %parallel_loop3A_409, %parallel_loop3A_409 : vector<16xf32>
      %parallel_loop3A_413 = arith.mulf %parallel_loop3A_411, %parallel_loop3A_411 : vector<16xf32>
      %parallel_loop3A_414 = arith.addf %parallel_loop3A_412, %parallel_loop3A_413 : vector<16xf32>
      %parallel_loop3A_415 = arith.constant 16 : i32
      %parallel_loop3A_416 = arith.muli %parallel_loop3A_387, %parallel_loop3A_415 : i32
      %parallel_loop3A_417 = arith.constant 1 : i32
      %parallel_loop3A_418 = arith.index_cast %parallel_loop3A_417 : i32 to index
      %parallel_loop3A_419 = arith.index_cast %parallel_loop3A_416 : i32 to index
      %parallel_loop3A_420 = tpu.vector_load %arg8[%parallel_loop3A_418, %parallel_loop3A_419] {strides = array<i32>} : memref<2x8192xf32, #tpu.memory_space<vmem>>, vector<16xf32>,
      %parallel_loop3A_421 = arith.constant -5.000000e-01 : f32
      %parallel_loop3A_422 = vector.broadcast %parallel_loop3A_421 : f32 to vector<16xf32>
      %parallel_loop3A_423 = arith.mulf %parallel_loop3A_414, %parallel_loop3A_422 : vector<16xf32>
      %parallel_loop3A_424 = math.exp %parallel_loop3A_423 : vector<16xf32>
      %parallel_loop3A_425 = arith.cmpf ogt, %parallel_loop3A_424, %parallel_loop3A_420 : vector<16xf32>
      %parallel_loop3A_426 = arith.constant 0.000000e+00 : f32
      %parallel_loop3A_427 = vector.broadcast %parallel_loop3A_426 : f32 to vector<16xf32>
      %parallel_loop3A_428 = arith.select %parallel_loop3A_425, %parallel_loop3A_409, %parallel_loop3A_427 : vector<16xi1>, vector<16xf32>
      %parallel_loop3A_429 = arith.constant 1 : i32
      %parallel_loop3A_430 = arith.constant 0 : i32
      %parallel_loop3A_431 = arith.index_cast %parallel_loop3A_429 : i32 to index
      %parallel_loop3A_432 = arith.index_cast %parallel_loop3A_389 : i32 to index
      %parallel_loop3A_433 = arith.index_cast %parallel_loop3A_430 : i32 to index
      %parallel_loop3A_434 = arith.index_cast %parallel_loop3A_393 : i32 to index
      %parallel_loop3A_435 = tpu.vector_load %arg7[%parallel_loop3A_431, %parallel_loop3A_432, %parallel_loop3A_433, %parallel_loop3A_434] {strides = array<i32>} : memref<2x64x2x128xf32, #tpu.memory_space<vmem>>, vector<16xf32>,
      tpu.vector_store %arg7[%parallel_loop3A_431, %parallel_loop3A_432, %parallel_loop3A_433, %parallel_loop3A_434], %parallel_loop3A_428 {strides = array<i32>} : memref<2x64x2x128xf32, #tpu.memory_space<vmem>>, vector<16xf32>,
      %parallel_loop3A_436 = arith.select %parallel_loop3A_425, %parallel_loop3A_411, %parallel_loop3A_427 : vector<16xi1>, vector<16xf32>
      %parallel_loop3A_437 = arith.constant 1 : i32
      %parallel_loop3A_438 = arith.constant 1 : i32
      %parallel_loop3A_439 = arith.index_cast %parallel_loop3A_437 : i32 to index
      %parallel_loop3A_440 = arith.index_cast %parallel_loop3A_389 : i32 to index
      %parallel_loop3A_441 = arith.index_cast %parallel_loop3A_438 : i32 to index
      %parallel_loop3A_442 = arith.index_cast %parallel_loop3A_393 : i32 to index
      %parallel_loop3A_443 = tpu.vector_load %arg7[%parallel_loop3A_439, %parallel_loop3A_440, %parallel_loop3A_441, %parallel_loop3A_442] {strides = array<i32>} : memref<2x64x2x128xf32, #tpu.memory_space<vmem>>, vector<16xf32>,
      tpu.vector_store %arg7[%parallel_loop3A_439, %parallel_loop3A_440, %parallel_loop3A_441, %parallel_loop3A_442], %parallel_loop3A_436 {strides = array<i32>} : memref<2x64x2x128xf32, #tpu.memory_space<vmem>>, vector<16xf32>,
    } {sc.loop_unroll_factor = 2 : i64, sc.parallel_access}
    %add3A_174 = arith.constant 64 : i32
    %add3A_175 = arith.addi %mul3A_9, %add3A_174 : i32
    %dma_start3A_176 = arith.constant 1 : i32
    %dma_start3A_177 = arith.constant 0 : i32
    %dma_start3A_178 = arith.constant 0 : i32
    %dma_start3A_179 = arith.constant 0 : i32
    %dma_start3A_180 = tpu.memref_slice %arg7[%dma_start3A_176, %dma_start3A_177, %dma_start3A_178, %dma_start3A_179] : memref<2x64x2x128xf32, #tpu.memory_space<vmem>> -> memref<1x64x2x128xf32, #tpu.memory_space<vmem>>
    %dma_start3A_181 = tpu.memref_squeeze %dma_start3A_180 : memref<1x64x2x128xf32, #tpu.memory_space<vmem>> -> memref<64x2x128xf32, #tpu.memory_space<vmem>>
    %dma_start3A_182 = arith.constant 0 : i32
    %dma_start3A_183 = arith.constant 0 : i32
    %dma_start3A_184 = tpu.memref_slice %arg5[%add3A_175, %dma_start3A_182, %dma_start3A_183] : memref<8192x2x128xf32, #tpu.memory_space<hbm>> -> memref<64x2x128xf32, #tpu.memory_space<hbm>>
    %dma_start3A_185 = arith.constant 0 : i32
    %dma_start3A_186 = arith.constant 0 : i32
    %dma_start3A_187 = tpu.memref_slice %arg5[%add3A_175, %dma_start3A_185, %dma_start3A_186] : memref<8192x2x128xf32, #tpu.memory_space<hbm>> -> memref<64x2x128xf32, #tpu.memory_space<hbm>>
    %dma_start3A_188 = arith.constant 0 : i32
    %dma_start3A_189 = arith.constant 0 : i32
    %dma_start3A_190 = arith.constant 0 : i32
    %dma_start3A_191 = tpu.memref_slice %arg7[%dma_start3A_176, %dma_start3A_188, %dma_start3A_189, %dma_start3A_190] : memref<2x64x2x128xf32, #tpu.memory_space<vmem>> -> memref<1x64x2x128xf32, #tpu.memory_space<vmem>>
    %dma_start3A_192 = tpu.memref_squeeze %dma_start3A_191 : memref<1x64x2x128xf32, #tpu.memory_space<vmem>> -> memref<64x2x128xf32, #tpu.memory_space<vmem>>
    tpu.enqueue_dma source(%dma_start3A_192 : memref<64x2x128xf32, #tpu.memory_space<vmem>>) target(%dma_start3A_187 : memref<64x2x128xf32, #tpu.memory_space<hbm>>) target_semaphore(%arg15 : memref<!tpu.dma_semaphore, #tpu.memory_space<semaphore_mem>>)
    %add3A_193 = arith.constant 192 : i32
    %add3A_194 = arith.addi %mul3A_9, %add3A_193 : i32
    %dma_start3A_195 = arith.constant 1 : i32
    %dma_start3A_196 = arith.constant 0 : i32
    %dma_start3A_197 = arith.constant 0 : i32
    %dma_start3A_198 = arith.constant 0 : i32
    %dma_start3A_199 = tpu.memref_slice %arg6[%dma_start3A_195, %dma_start3A_196, %dma_start3A_197, %dma_start3A_198] : memref<2x64x2x128xf32, #tpu.memory_space<vmem>> -> memref<1x64x2x128xf32, #tpu.memory_space<vmem>>
    %dma_start3A_200 = tpu.memref_squeeze %dma_start3A_199 : memref<1x64x2x128xf32, #tpu.memory_space<vmem>> -> memref<64x2x128xf32, #tpu.memory_space<vmem>>
    %dma_start3A_201 = arith.constant 0 : i32
    %dma_start3A_202 = arith.constant 0 : i32
    %dma_start3A_203 = tpu.memref_slice %arg2[%add3A_194, %dma_start3A_201, %dma_start3A_202] : memref<8192x2x128xf32, #tpu.memory_space<hbm>> -> memref<64x2x128xf32, #tpu.memory_space<hbm>>
    %dma_start3A_204 = arith.constant 0 : i32
    %dma_start3A_205 = arith.constant 0 : i32
    %dma_start3A_206 = arith.constant 0 : i32
    %dma_start3A_207 = tpu.memref_slice %arg6[%dma_start3A_195, %dma_start3A_204, %dma_start3A_205, %dma_start3A_206] : memref<2x64x2x128xf32, #tpu.memory_space<vmem>> -> memref<1x64x2x128xf32, #tpu.memory_space<vmem>>
    %dma_start3A_208 = tpu.memref_squeeze %dma_start3A_207 : memref<1x64x2x128xf32, #tpu.memory_space<vmem>> -> memref<64x2x128xf32, #tpu.memory_space<vmem>>
    %dma_start3A_209 = arith.constant 0 : i32
    %dma_start3A_210 = arith.constant 0 : i32
    %dma_start3A_211 = tpu.memref_slice %arg2[%add3A_194, %dma_start3A_209, %dma_start3A_210] : memref<8192x2x128xf32, #tpu.memory_space<hbm>> -> memref<64x2x128xf32, #tpu.memory_space<hbm>>
    tpu.enqueue_dma source(%dma_start3A_211 : memref<64x2x128xf32, #tpu.memory_space<hbm>>) target(%dma_start3A_208 : memref<64x2x128xf32, #tpu.memory_space<vmem>>) target_semaphore(%arg11 : memref<!tpu.dma_semaphore, #tpu.memory_space<semaphore_mem>>)
    %mul3A_212 = arith.constant 128 : i32
    %mul3A_213 = arith.muli %add3A_194, %mul3A_212 : i32
    %dma_start3A_214 = arith.constant 1 : i32
    %dma_start3A_215 = arith.constant 0 : i32
    %dma_start3A_216 = tpu.memref_slice %arg8[%dma_start3A_214, %dma_start3A_215] : memref<2x8192xf32, #tpu.memory_space<vmem>> -> memref<1x8192xf32, #tpu.memory_space<vmem>>
    %dma_start3A_217 = tpu.memref_squeeze %dma_start3A_216 : memref<1x8192xf32, #tpu.memory_space<vmem>> -> memref<8192xf32, #tpu.memory_space<vmem>>
    %dma_start3A_218 = tpu.memref_slice %arg3[%mul3A_213] : memref<1048576xf32, #tpu.memory_space<hbm>> -> memref<8192xf32, #tpu.memory_space<hbm>>
    %dma_start3A_219 = arith.constant 0 : i32
    %dma_start3A_220 = tpu.memref_slice %arg8[%dma_start3A_214, %dma_start3A_219] : memref<2x8192xf32, #tpu.memory_space<vmem>> -> memref<1x8192xf32, #tpu.memory_space<vmem>>
    %dma_start3A_221 = tpu.memref_squeeze %dma_start3A_220 : memref<1x8192xf32, #tpu.memory_space<vmem>> -> memref<8192xf32, #tpu.memory_space<vmem>>
    %dma_start3A_222 = tpu.memref_slice %arg3[%mul3A_213] : memref<1048576xf32, #tpu.memory_space<hbm>> -> memref<8192xf32, #tpu.memory_space<hbm>>
    tpu.enqueue_dma source(%dma_start3A_222 : memref<8192xf32, #tpu.memory_space<hbm>>) target(%dma_start3A_221 : memref<8192xf32, #tpu.memory_space<vmem>>) target_semaphore(%arg13 : memref<!tpu.dma_semaphore, #tpu.memory_space<semaphore_mem>>)
    %dma_wait3A_223 = arith.constant 0 : i32
    %dma_wait3A_224 = arith.constant 0 : i32
    %dma_wait3A_225 = arith.constant 0 : i32
    %dma_wait3A_226 = arith.constant 0 : i32
    %dma_wait3A_227 = tpu.memref_slice %arg6[%dma_wait3A_223, %dma_wait3A_224, %dma_wait3A_225, %dma_wait3A_226] : memref<2x64x2x128xf32, #tpu.memory_space<vmem>> -> memref<1x64x2x128xf32, #tpu.memory_space<vmem>>
    %dma_wait3A_228 = tpu.memref_squeeze %dma_wait3A_227 : memref<1x64x2x128xf32, #tpu.memory_space<vmem>> -> memref<64x2x128xf32, #tpu.memory_space<vmem>>
    %dma_wait3A_229 = arith.constant 0 : i32
    %dma_wait3A_230 = arith.constant 0 : i32
    %dma_wait3A_231 = tpu.memref_slice %arg2[%add3A_116, %dma_wait3A_229, %dma_wait3A_230] : memref<8192x2x128xf32, #tpu.memory_space<hbm>> -> memref<64x2x128xf32, #tpu.memory_space<hbm>>
    %dma_wait3A_232 = arith.constant 0 : i32
    %dma_wait3A_233 = arith.constant 0 : i32
    %dma_wait3A_234 = arith.constant 0 : i32
    %dma_wait3A_235 = tpu.memref_slice %arg6[%dma_wait3A_223, %dma_wait3A_232, %dma_wait3A_233, %dma_wait3A_234] : memref<2x64x2x128xf32, #tpu.memory_space<vmem>> -> memref<1x64x2x128xf32, #tpu.memory_space<vmem>>
    %dma_wait3A_236 = tpu.memref_squeeze %dma_wait3A_235 : memref<1x64x2x128xf32, #tpu.memory_space<vmem>> -> memref<64x2x128xf32, #tpu.memory_space<vmem>>
    %dma_wait3A_237 = arith.constant 0 : i32
    %dma_wait3A_238 = arith.constant 0 : i32
    %dma_wait3A_239 = tpu.memref_slice %arg2[%add3A_116, %dma_wait3A_237, %dma_wait3A_238] : memref<8192x2x128xf32, #tpu.memory_space<hbm>> -> memref<64x2x128xf32, #tpu.memory_space<hbm>>
    tpu.wait_dma2 semaphore(%arg10 : memref<!tpu.dma_semaphore, #tpu.memory_space<semaphore_mem>>) src(%dma_wait3A_239 : memref<64x2x128xf32, #tpu.memory_space<hbm>>) dst(%dma_wait3A_236 : memref<64x2x128xf32, #tpu.memory_space<vmem>>)
    %dma_wait3A_240 = arith.constant 0 : i32
    %dma_wait3A_241 = arith.constant 0 : i32
    %dma_wait3A_242 = tpu.memref_slice %arg8[%dma_wait3A_240, %dma_wait3A_241] : memref<2x8192xf32, #tpu.memory_space<vmem>> -> memref<1x8192xf32, #tpu.memory_space<vmem>>
    %dma_wait3A_243 = tpu.memref_squeeze %dma_wait3A_242 : memref<1x8192xf32, #tpu.memory_space<vmem>> -> memref<8192xf32, #tpu.memory_space<vmem>>
    %dma_wait3A_244 = tpu.memref_slice %arg3[%mul3A_135] : memref<1048576xf32, #tpu.memory_space<hbm>> -> memref<8192xf32, #tpu.memory_space<hbm>>
    %dma_wait3A_245 = arith.constant 0 : i32
    %dma_wait3A_246 = tpu.memref_slice %arg8[%dma_wait3A_240, %dma_wait3A_245] : memref<2x8192xf32, #tpu.memory_space<vmem>> -> memref<1x8192xf32, #tpu.memory_space<vmem>>
    %dma_wait3A_247 = tpu.memref_squeeze %dma_wait3A_246 : memref<1x8192xf32, #tpu.memory_space<vmem>> -> memref<8192xf32, #tpu.memory_space<vmem>>
    %dma_wait3A_248 = tpu.memref_slice %arg3[%mul3A_135] : memref<1048576xf32, #tpu.memory_space<hbm>> -> memref<8192xf32, #tpu.memory_space<hbm>>
    tpu.wait_dma2 semaphore(%arg12 : memref<!tpu.dma_semaphore, #tpu.memory_space<semaphore_mem>>) src(%dma_wait3A_248 : memref<8192xf32, #tpu.memory_space<hbm>>) dst(%dma_wait3A_247 : memref<8192xf32, #tpu.memory_space<vmem>>)
    %dma_wait3A_249 = arith.constant 0 : i32
    %dma_wait3A_250 = arith.constant 0 : i32
    %dma_wait3A_251 = arith.constant 0 : i32
    %dma_wait3A_252 = arith.constant 0 : i32
    %dma_wait3A_253 = tpu.memref_slice %arg7[%dma_wait3A_249, %dma_wait3A_250, %dma_wait3A_251, %dma_wait3A_252] : memref<2x64x2x128xf32, #tpu.memory_space<vmem>> -> memref<1x64x2x128xf32, #tpu.memory_space<vmem>>
    %dma_wait3A_254 = tpu.memref_squeeze %dma_wait3A_253 : memref<1x64x2x128xf32, #tpu.memory_space<vmem>> -> memref<64x2x128xf32, #tpu.memory_space<vmem>>
    %dma_wait3A_255 = arith.constant 0 : i32
    %dma_wait3A_256 = arith.constant 0 : i32
    %dma_wait3A_257 = tpu.memref_slice %arg5[%add3A_97, %dma_wait3A_255, %dma_wait3A_256] : memref<8192x2x128xf32, #tpu.memory_space<hbm>> -> memref<64x2x128xf32, #tpu.memory_space<hbm>>
    %dma_wait3A_258 = arith.constant 0 : i32
    %dma_wait3A_259 = arith.constant 0 : i32
    %dma_wait3A_260 = tpu.memref_slice %arg5[%add3A_97, %dma_wait3A_258, %dma_wait3A_259] : memref<8192x2x128xf32, #tpu.memory_space<hbm>> -> memref<64x2x128xf32, #tpu.memory_space<hbm>>
    %dma_wait3A_261 = arith.constant 0 : i32
    %dma_wait3A_262 = arith.constant 0 : i32
    %dma_wait3A_263 = arith.constant 0 : i32
    %dma_wait3A_264 = tpu.memref_slice %arg7[%dma_wait3A_249, %dma_wait3A_261, %dma_wait3A_262, %dma_wait3A_263] : memref<2x64x2x128xf32, #tpu.memory_space<vmem>> -> memref<1x64x2x128xf32, #tpu.memory_space<vmem>>
    %dma_wait3A_265 = tpu.memref_squeeze %dma_wait3A_264 : memref<1x64x2x128xf32, #tpu.memory_space<vmem>> -> memref<64x2x128xf32, #tpu.memory_space<vmem>>
    tpu.wait_dma2 semaphore(%arg14 : memref<!tpu.dma_semaphore, #tpu.memory_space<semaphore_mem>>) src(%dma_wait3A_265 : memref<64x2x128xf32, #tpu.memory_space<vmem>>) dst(%dma_wait3A_260 : memref<64x2x128xf32, #tpu.memory_space<hbm>>)
    %parallel_loop3A_266 = arith.constant 0 : i32
    %parallel_loop3A_267 = arith.constant 512 : i32
    %parallel_loop3A_268 = arith.constant 1 : i32
    scf.for %parallel_loop3A_387 = %parallel_loop3A_266 to %parallel_loop3A_267 step %parallel_loop3A_268  : i32 {
      %parallel_loop3A_388 = arith.constant 3 : i32
      %parallel_loop3A_389 = arith.shrsi %parallel_loop3A_387, %parallel_loop3A_388 : i32
      %parallel_loop3A_390 = arith.constant 7 : i32
      %parallel_loop3A_391 = arith.andi %parallel_loop3A_387, %parallel_loop3A_390 : i32
      %parallel_loop3A_392 = arith.constant 16 : i32
      %parallel_loop3A_393 = arith.muli %parallel_loop3A_391, %parallel_loop3A_392 : i32
      %parallel_loop3A_394 = arith.constant 0 : i32
      %parallel_loop3A_395 = arith.constant 0 : i32
      %parallel_loop3A_396 = arith.index_cast %parallel_loop3A_394 : i32 to index
      %parallel_loop3A_397 = arith.index_cast %parallel_loop3A_389 : i32 to index
      %parallel_loop3A_398 = arith.index_cast %parallel_loop3A_395 : i32 to index
      %parallel_loop3A_399 = arith.index_cast %parallel_loop3A_393 : i32 to index
      %parallel_loop3A_400 = tpu.vector_load %arg6[%parallel_loop3A_396, %parallel_loop3A_397, %parallel_loop3A_398, %parallel_loop3A_399] {strides = array<i32>} : memref<2x64x2x128xf32, #tpu.memory_space<vmem>>, vector<16xf32>,
      %parallel_loop3A_401 = arith.constant 0 : i32
      %parallel_loop3A_402 = arith.constant 1 : i32
      %parallel_loop3A_403 = arith.index_cast %parallel_loop3A_401 : i32 to index
      %parallel_loop3A_404 = arith.index_cast %parallel_loop3A_389 : i32 to index
      %parallel_loop3A_405 = arith.index_cast %parallel_loop3A_402 : i32 to index
      %parallel_loop3A_406 = arith.index_cast %parallel_loop3A_393 : i32 to index
      %parallel_loop3A_407 = tpu.vector_load %arg6[%parallel_loop3A_403, %parallel_loop3A_404, %parallel_loop3A_405, %parallel_loop3A_406] {strides = array<i32>} : memref<2x64x2x128xf32, #tpu.memory_space<vmem>>, vector<16xf32>,
      %parallel_loop3A_408 = arith.mulf %parallel_loop3A_400, %get3A_1 : vector<16xf32>
      %parallel_loop3A_409 = arith.addf %parallel_loop3A_408, %get3A_5 : vector<16xf32>
      %parallel_loop3A_410 = arith.mulf %parallel_loop3A_407, %get3A_3 : vector<16xf32>
      %parallel_loop3A_411 = arith.addf %parallel_loop3A_410, %get3A_7 : vector<16xf32>
      %parallel_loop3A_412 = arith.mulf %parallel_loop3A_409, %parallel_loop3A_409 : vector<16xf32>
      %parallel_loop3A_413 = arith.mulf %parallel_loop3A_411, %parallel_loop3A_411 : vector<16xf32>
      %parallel_loop3A_414 = arith.addf %parallel_loop3A_412, %parallel_loop3A_413 : vector<16xf32>
      %parallel_loop3A_415 = arith.constant 16 : i32
      %parallel_loop3A_416 = arith.muli %parallel_loop3A_387, %parallel_loop3A_415 : i32
      %parallel_loop3A_417 = arith.constant 0 : i32
      %parallel_loop3A_418 = arith.index_cast %parallel_loop3A_417 : i32 to index
      %parallel_loop3A_419 = arith.index_cast %parallel_loop3A_416 : i32 to index
      %parallel_loop3A_420 = tpu.vector_load %arg8[%parallel_loop3A_418, %parallel_loop3A_419] {strides = array<i32>} : memref<2x8192xf32, #tpu.memory_space<vmem>>, vector<16xf32>,
      %parallel_loop3A_421 = arith.constant -5.000000e-01 : f32
      %parallel_loop3A_422 = vector.broadcast %parallel_loop3A_421 : f32 to vector<16xf32>
      %parallel_loop3A_423 = arith.mulf %parallel_loop3A_414, %parallel_loop3A_422 : vector<16xf32>
      %parallel_loop3A_424 = math.exp %parallel_loop3A_423 : vector<16xf32>
      %parallel_loop3A_425 = arith.cmpf ogt, %parallel_loop3A_424, %parallel_loop3A_420 : vector<16xf32>
      %parallel_loop3A_426 = arith.constant 0.000000e+00 : f32
      %parallel_loop3A_427 = vector.broadcast %parallel_loop3A_426 : f32 to vector<16xf32>
      %parallel_loop3A_428 = arith.select %parallel_loop3A_425, %parallel_loop3A_409, %parallel_loop3A_427 : vector<16xi1>, vector<16xf32>
      %parallel_loop3A_429 = arith.constant 0 : i32
      %parallel_loop3A_430 = arith.constant 0 : i32
      %parallel_loop3A_431 = arith.index_cast %parallel_loop3A_429 : i32 to index
      %parallel_loop3A_432 = arith.index_cast %parallel_loop3A_389 : i32 to index
      %parallel_loop3A_433 = arith.index_cast %parallel_loop3A_430 : i32 to index
      %parallel_loop3A_434 = arith.index_cast %parallel_loop3A_393 : i32 to index
      %parallel_loop3A_435 = tpu.vector_load %arg7[%parallel_loop3A_431, %parallel_loop3A_432, %parallel_loop3A_433, %parallel_loop3A_434] {strides = array<i32>} : memref<2x64x2x128xf32, #tpu.memory_space<vmem>>, vector<16xf32>,
      tpu.vector_store %arg7[%parallel_loop3A_431, %parallel_loop3A_432, %parallel_loop3A_433, %parallel_loop3A_434], %parallel_loop3A_428 {strides = array<i32>} : memref<2x64x2x128xf32, #tpu.memory_space<vmem>>, vector<16xf32>,
      %parallel_loop3A_436 = arith.select %parallel_loop3A_425, %parallel_loop3A_411, %parallel_loop3A_427 : vector<16xi1>, vector<16xf32>
      %parallel_loop3A_437 = arith.constant 0 : i32
      %parallel_loop3A_438 = arith.constant 1 : i32
      %parallel_loop3A_439 = arith.index_cast %parallel_loop3A_437 : i32 to index
      %parallel_loop3A_440 = arith.index_cast %parallel_loop3A_389 : i32 to index
      %parallel_loop3A_441 = arith.index_cast %parallel_loop3A_438 : i32 to index
      %parallel_loop3A_442 = arith.index_cast %parallel_loop3A_393 : i32 to index
      %parallel_loop3A_443 = tpu.vector_load %arg7[%parallel_loop3A_439, %parallel_loop3A_440, %parallel_loop3A_441, %parallel_loop3A_442] {strides = array<i32>} : memref<2x64x2x128xf32, #tpu.memory_space<vmem>>, vector<16xf32>,
      tpu.vector_store %arg7[%parallel_loop3A_439, %parallel_loop3A_440, %parallel_loop3A_441, %parallel_loop3A_442], %parallel_loop3A_436 {strides = array<i32>} : memref<2x64x2x128xf32, #tpu.memory_space<vmem>>, vector<16xf32>,
    } {sc.loop_unroll_factor = 2 : i64, sc.parallel_access}
    %add3A_269 = arith.constant 128 : i32
    %add3A_270 = arith.addi %mul3A_9, %add3A_269 : i32
    %dma_start3A_271 = arith.constant 0 : i32
    %dma_start3A_272 = arith.constant 0 : i32
    %dma_start3A_273 = arith.constant 0 : i32
    %dma_start3A_274 = arith.constant 0 : i32
    %dma_start3A_275 = tpu.memref_slice %arg7[%dma_start3A_271, %dma_start3A_272, %dma_start3A_273, %dma_start3A_274] : memref<2x64x2x128xf32, #tpu.memory_space<vmem>> -> memref<1x64x2x128xf32, #tpu.memory_space<vmem>>
    %dma_start3A_276 = tpu.memref_squeeze %dma_start3A_275 : memref<1x64x2x128xf32, #tpu.memory_space<vmem>> -> memref<64x2x128xf32, #tpu.memory_space<vmem>>
    %dma_start3A_277 = arith.constant 0 : i32
    %dma_start3A_278 = arith.constant 0 : i32
    %dma_start3A_279 = tpu.memref_slice %arg5[%add3A_270, %dma_start3A_277, %dma_start3A_278] : memref<8192x2x128xf32, #tpu.memory_space<hbm>> -> memref<64x2x128xf32, #tpu.memory_space<hbm>>
    %dma_start3A_280 = arith.constant 0 : i32
    %dma_start3A_281 = arith.constant 0 : i32
    %dma_start3A_282 = tpu.memref_slice %arg5[%add3A_270, %dma_start3A_280, %dma_start3A_281] : memref<8192x2x128xf32, #tpu.memory_space<hbm>> -> memref<64x2x128xf32, #tpu.memory_space<hbm>>
    %dma_start3A_283 = arith.constant 0 : i32
    %dma_start3A_284 = arith.constant 0 : i32
    %dma_start3A_285 = arith.constant 0 : i32
    %dma_start3A_286 = tpu.memref_slice %arg7[%dma_start3A_271, %dma_start3A_283, %dma_start3A_284, %dma_start3A_285] : memref<2x64x2x128xf32, #tpu.memory_space<vmem>> -> memref<1x64x2x128xf32, #tpu.memory_space<vmem>>
    %dma_start3A_287 = tpu.memref_squeeze %dma_start3A_286 : memref<1x64x2x128xf32, #tpu.memory_space<vmem>> -> memref<64x2x128xf32, #tpu.memory_space<vmem>>
    tpu.enqueue_dma source(%dma_start3A_287 : memref<64x2x128xf32, #tpu.memory_space<vmem>>) target(%dma_start3A_282 : memref<64x2x128xf32, #tpu.memory_space<hbm>>) target_semaphore(%arg14 : memref<!tpu.dma_semaphore, #tpu.memory_space<semaphore_mem>>)
    %dma_wait3A_288 = arith.constant 1 : i32
    %dma_wait3A_289 = arith.constant 0 : i32
    %dma_wait3A_290 = arith.constant 0 : i32
    %dma_wait3A_291 = arith.constant 0 : i32
    %dma_wait3A_292 = tpu.memref_slice %arg6[%dma_wait3A_288, %dma_wait3A_289, %dma_wait3A_290, %dma_wait3A_291] : memref<2x64x2x128xf32, #tpu.memory_space<vmem>> -> memref<1x64x2x128xf32, #tpu.memory_space<vmem>>
    %dma_wait3A_293 = tpu.memref_squeeze %dma_wait3A_292 : memref<1x64x2x128xf32, #tpu.memory_space<vmem>> -> memref<64x2x128xf32, #tpu.memory_space<vmem>>
    %dma_wait3A_294 = arith.constant 0 : i32
    %dma_wait3A_295 = arith.constant 0 : i32
    %dma_wait3A_296 = tpu.memref_slice %arg2[%add3A_194, %dma_wait3A_294, %dma_wait3A_295] : memref<8192x2x128xf32, #tpu.memory_space<hbm>> -> memref<64x2x128xf32, #tpu.memory_space<hbm>>
    %dma_wait3A_297 = arith.constant 0 : i32
    %dma_wait3A_298 = arith.constant 0 : i32
    %dma_wait3A_299 = arith.constant 0 : i32
    %dma_wait3A_300 = tpu.memref_slice %arg6[%dma_wait3A_288, %dma_wait3A_297, %dma_wait3A_298, %dma_wait3A_299] : memref<2x64x2x128xf32, #tpu.memory_space<vmem>> -> memref<1x64x2x128xf32, #tpu.memory_space<vmem>>
    %dma_wait3A_301 = tpu.memref_squeeze %dma_wait3A_300 : memref<1x64x2x128xf32, #tpu.memory_space<vmem>> -> memref<64x2x128xf32, #tpu.memory_space<vmem>>
    %dma_wait3A_302 = arith.constant 0 : i32
    %dma_wait3A_303 = arith.constant 0 : i32
    %dma_wait3A_304 = tpu.memref_slice %arg2[%add3A_194, %dma_wait3A_302, %dma_wait3A_303] : memref<8192x2x128xf32, #tpu.memory_space<hbm>> -> memref<64x2x128xf32, #tpu.memory_space<hbm>>
    tpu.wait_dma2 semaphore(%arg11 : memref<!tpu.dma_semaphore, #tpu.memory_space<semaphore_mem>>) src(%dma_wait3A_304 : memref<64x2x128xf32, #tpu.memory_space<hbm>>) dst(%dma_wait3A_301 : memref<64x2x128xf32, #tpu.memory_space<vmem>>)
    %dma_wait3A_305 = arith.constant 1 : i32
    %dma_wait3A_306 = arith.constant 0 : i32
    %dma_wait3A_307 = tpu.memref_slice %arg8[%dma_wait3A_305, %dma_wait3A_306] : memref<2x8192xf32, #tpu.memory_space<vmem>> -> memref<1x8192xf32, #tpu.memory_space<vmem>>
    %dma_wait3A_308 = tpu.memref_squeeze %dma_wait3A_307 : memref<1x8192xf32, #tpu.memory_space<vmem>> -> memref<8192xf32, #tpu.memory_space<vmem>>
    %dma_wait3A_309 = tpu.memref_slice %arg3[%mul3A_213] : memref<1048576xf32, #tpu.memory_space<hbm>> -> memref<8192xf32, #tpu.memory_space<hbm>>
    %dma_wait3A_310 = arith.constant 0 : i32
    %dma_wait3A_311 = tpu.memref_slice %arg8[%dma_wait3A_305, %dma_wait3A_310] : memref<2x8192xf32, #tpu.memory_space<vmem>> -> memref<1x8192xf32, #tpu.memory_space<vmem>>
    %dma_wait3A_312 = tpu.memref_squeeze %dma_wait3A_311 : memref<1x8192xf32, #tpu.memory_space<vmem>> -> memref<8192xf32, #tpu.memory_space<vmem>>
    %dma_wait3A_313 = tpu.memref_slice %arg3[%mul3A_213] : memref<1048576xf32, #tpu.memory_space<hbm>> -> memref<8192xf32, #tpu.memory_space<hbm>>
    tpu.wait_dma2 semaphore(%arg13 : memref<!tpu.dma_semaphore, #tpu.memory_space<semaphore_mem>>) src(%dma_wait3A_313 : memref<8192xf32, #tpu.memory_space<hbm>>) dst(%dma_wait3A_312 : memref<8192xf32, #tpu.memory_space<vmem>>)
    %dma_wait3A_314 = arith.constant 1 : i32
    %dma_wait3A_315 = arith.constant 0 : i32
    %dma_wait3A_316 = arith.constant 0 : i32
    %dma_wait3A_317 = arith.constant 0 : i32
    %dma_wait3A_318 = tpu.memref_slice %arg7[%dma_wait3A_314, %dma_wait3A_315, %dma_wait3A_316, %dma_wait3A_317] : memref<2x64x2x128xf32, #tpu.memory_space<vmem>> -> memref<1x64x2x128xf32, #tpu.memory_space<vmem>>
    %dma_wait3A_319 = tpu.memref_squeeze %dma_wait3A_318 : memref<1x64x2x128xf32, #tpu.memory_space<vmem>> -> memref<64x2x128xf32, #tpu.memory_space<vmem>>
    %dma_wait3A_320 = arith.constant 0 : i32
    %dma_wait3A_321 = arith.constant 0 : i32
    %dma_wait3A_322 = tpu.memref_slice %arg5[%add3A_175, %dma_wait3A_320, %dma_wait3A_321] : memref<8192x2x128xf32, #tpu.memory_space<hbm>> -> memref<64x2x128xf32, #tpu.memory_space<hbm>>
    %dma_wait3A_323 = arith.constant 0 : i32
    %dma_wait3A_324 = arith.constant 0 : i32
    %dma_wait3A_325 = tpu.memref_slice %arg5[%add3A_175, %dma_wait3A_323, %dma_wait3A_324] : memref<8192x2x128xf32, #tpu.memory_space<hbm>> -> memref<64x2x128xf32, #tpu.memory_space<hbm>>
    %dma_wait3A_326 = arith.constant 0 : i32
    %dma_wait3A_327 = arith.constant 0 : i32
    %dma_wait3A_328 = arith.constant 0 : i32
    %dma_wait3A_329 = tpu.memref_slice %arg7[%dma_wait3A_314, %dma_wait3A_326, %dma_wait3A_327, %dma_wait3A_328] : memref<2x64x2x128xf32, #tpu.memory_space<vmem>> -> memref<1x64x2x128xf32, #tpu.memory_space<vmem>>
    %dma_wait3A_330 = tpu.memref_squeeze %dma_wait3A_329 : memref<1x64x2x128xf32, #tpu.memory_space<vmem>> -> memref<64x2x128xf32, #tpu.memory_space<vmem>>
    tpu.wait_dma2 semaphore(%arg15 : memref<!tpu.dma_semaphore, #tpu.memory_space<semaphore_mem>>) src(%dma_wait3A_330 : memref<64x2x128xf32, #tpu.memory_space<vmem>>) dst(%dma_wait3A_325 : memref<64x2x128xf32, #tpu.memory_space<hbm>>)
    %parallel_loop3A_331 = arith.constant 0 : i32
    %parallel_loop3A_332 = arith.constant 512 : i32
    %parallel_loop3A_333 = arith.constant 1 : i32
    scf.for %parallel_loop3A_387 = %parallel_loop3A_331 to %parallel_loop3A_332 step %parallel_loop3A_333  : i32 {
      %parallel_loop3A_388 = arith.constant 3 : i32
      %parallel_loop3A_389 = arith.shrsi %parallel_loop3A_387, %parallel_loop3A_388 : i32
      %parallel_loop3A_390 = arith.constant 7 : i32
      %parallel_loop3A_391 = arith.andi %parallel_loop3A_387, %parallel_loop3A_390 : i32
      %parallel_loop3A_392 = arith.constant 16 : i32
      %parallel_loop3A_393 = arith.muli %parallel_loop3A_391, %parallel_loop3A_392 : i32
      %parallel_loop3A_394 = arith.constant 1 : i32
      %parallel_loop3A_395 = arith.constant 0 : i32
      %parallel_loop3A_396 = arith.index_cast %parallel_loop3A_394 : i32 to index
      %parallel_loop3A_397 = arith.index_cast %parallel_loop3A_389 : i32 to index
      %parallel_loop3A_398 = arith.index_cast %parallel_loop3A_395 : i32 to index
      %parallel_loop3A_399 = arith.index_cast %parallel_loop3A_393 : i32 to index
      %parallel_loop3A_400 = tpu.vector_load %arg6[%parallel_loop3A_396, %parallel_loop3A_397, %parallel_loop3A_398, %parallel_loop3A_399] {strides = array<i32>} : memref<2x64x2x128xf32, #tpu.memory_space<vmem>>, vector<16xf32>,
      %parallel_loop3A_401 = arith.constant 1 : i32
      %parallel_loop3A_402 = arith.constant 1 : i32
      %parallel_loop3A_403 = arith.index_cast %parallel_loop3A_401 : i32 to index
      %parallel_loop3A_404 = arith.index_cast %parallel_loop3A_389 : i32 to index
      %parallel_loop3A_405 = arith.index_cast %parallel_loop3A_402 : i32 to index
      %parallel_loop3A_406 = arith.index_cast %parallel_loop3A_393 : i32 to index
      %parallel_loop3A_407 = tpu.vector_load %arg6[%parallel_loop3A_403, %parallel_loop3A_404, %parallel_loop3A_405, %parallel_loop3A_406] {strides = array<i32>} : memref<2x64x2x128xf32, #tpu.memory_space<vmem>>, vector<16xf32>,
      %parallel_loop3A_408 = arith.mulf %parallel_loop3A_400, %get3A_1 : vector<16xf32>
      %parallel_loop3A_409 = arith.addf %parallel_loop3A_408, %get3A_5 : vector<16xf32>
      %parallel_loop3A_410 = arith.mulf %parallel_loop3A_407, %get3A_3 : vector<16xf32>
      %parallel_loop3A_411 = arith.addf %parallel_loop3A_410, %get3A_7 : vector<16xf32>
      %parallel_loop3A_412 = arith.mulf %parallel_loop3A_409, %parallel_loop3A_409 : vector<16xf32>
      %parallel_loop3A_413 = arith.mulf %parallel_loop3A_411, %parallel_loop3A_411 : vector<16xf32>
      %parallel_loop3A_414 = arith.addf %parallel_loop3A_412, %parallel_loop3A_413 : vector<16xf32>
      %parallel_loop3A_415 = arith.constant 16 : i32
      %parallel_loop3A_416 = arith.muli %parallel_loop3A_387, %parallel_loop3A_415 : i32
      %parallel_loop3A_417 = arith.constant 1 : i32
      %parallel_loop3A_418 = arith.index_cast %parallel_loop3A_417 : i32 to index
      %parallel_loop3A_419 = arith.index_cast %parallel_loop3A_416 : i32 to index
      %parallel_loop3A_420 = tpu.vector_load %arg8[%parallel_loop3A_418, %parallel_loop3A_419] {strides = array<i32>} : memref<2x8192xf32, #tpu.memory_space<vmem>>, vector<16xf32>,
      %parallel_loop3A_421 = arith.constant -5.000000e-01 : f32
      %parallel_loop3A_422 = vector.broadcast %parallel_loop3A_421 : f32 to vector<16xf32>
      %parallel_loop3A_423 = arith.mulf %parallel_loop3A_414, %parallel_loop3A_422 : vector<16xf32>
      %parallel_loop3A_424 = math.exp %parallel_loop3A_423 : vector<16xf32>
      %parallel_loop3A_425 = arith.cmpf ogt, %parallel_loop3A_424, %parallel_loop3A_420 : vector<16xf32>
      %parallel_loop3A_426 = arith.constant 0.000000e+00 : f32
      %parallel_loop3A_427 = vector.broadcast %parallel_loop3A_426 : f32 to vector<16xf32>
      %parallel_loop3A_428 = arith.select %parallel_loop3A_425, %parallel_loop3A_409, %parallel_loop3A_427 : vector<16xi1>, vector<16xf32>
      %parallel_loop3A_429 = arith.constant 1 : i32
      %parallel_loop3A_430 = arith.constant 0 : i32
      %parallel_loop3A_431 = arith.index_cast %parallel_loop3A_429 : i32 to index
      %parallel_loop3A_432 = arith.index_cast %parallel_loop3A_389 : i32 to index
      %parallel_loop3A_433 = arith.index_cast %parallel_loop3A_430 : i32 to index
      %parallel_loop3A_434 = arith.index_cast %parallel_loop3A_393 : i32 to index
      %parallel_loop3A_435 = tpu.vector_load %arg7[%parallel_loop3A_431, %parallel_loop3A_432, %parallel_loop3A_433, %parallel_loop3A_434] {strides = array<i32>} : memref<2x64x2x128xf32, #tpu.memory_space<vmem>>, vector<16xf32>,
      tpu.vector_store %arg7[%parallel_loop3A_431, %parallel_loop3A_432, %parallel_loop3A_433, %parallel_loop3A_434], %parallel_loop3A_428 {strides = array<i32>} : memref<2x64x2x128xf32, #tpu.memory_space<vmem>>, vector<16xf32>,
      %parallel_loop3A_436 = arith.select %parallel_loop3A_425, %parallel_loop3A_411, %parallel_loop3A_427 : vector<16xi1>, vector<16xf32>
      %parallel_loop3A_437 = arith.constant 1 : i32
      %parallel_loop3A_438 = arith.constant 1 : i32
      %parallel_loop3A_439 = arith.index_cast %parallel_loop3A_437 : i32 to index
      %parallel_loop3A_440 = arith.index_cast %parallel_loop3A_389 : i32 to index
      %parallel_loop3A_441 = arith.index_cast %parallel_loop3A_438 : i32 to index
      %parallel_loop3A_442 = arith.index_cast %parallel_loop3A_393 : i32 to index
      %parallel_loop3A_443 = tpu.vector_load %arg7[%parallel_loop3A_439, %parallel_loop3A_440, %parallel_loop3A_441, %parallel_loop3A_442] {strides = array<i32>} : memref<2x64x2x128xf32, #tpu.memory_space<vmem>>, vector<16xf32>,
      tpu.vector_store %arg7[%parallel_loop3A_439, %parallel_loop3A_440, %parallel_loop3A_441, %parallel_loop3A_442], %parallel_loop3A_436 {strides = array<i32>} : memref<2x64x2x128xf32, #tpu.memory_space<vmem>>, vector<16xf32>,
    } {sc.loop_unroll_factor = 2 : i64, sc.parallel_access}
    %add3A_334 = arith.constant 192 : i32
    %add3A_335 = arith.addi %mul3A_9, %add3A_334 : i32
    %dma_start3A_336 = arith.constant 1 : i32
    %dma_start3A_337 = arith.constant 0 : i32
    %dma_start3A_338 = arith.constant 0 : i32
    %dma_start3A_339 = arith.constant 0 : i32
    %dma_start3A_340 = tpu.memref_slice %arg7[%dma_start3A_336, %dma_start3A_337, %dma_start3A_338, %dma_start3A_339] : memref<2x64x2x128xf32, #tpu.memory_space<vmem>> -> memref<1x64x2x128xf32, #tpu.memory_space<vmem>>
    %dma_start3A_341 = tpu.memref_squeeze %dma_start3A_340 : memref<1x64x2x128xf32, #tpu.memory_space<vmem>> -> memref<64x2x128xf32, #tpu.memory_space<vmem>>
    %dma_start3A_342 = arith.constant 0 : i32
    %dma_start3A_343 = arith.constant 0 : i32
    %dma_start3A_344 = tpu.memref_slice %arg5[%add3A_335, %dma_start3A_342, %dma_start3A_343] : memref<8192x2x128xf32, #tpu.memory_space<hbm>> -> memref<64x2x128xf32, #tpu.memory_space<hbm>>
    %dma_start3A_345 = arith.constant 0 : i32
    %dma_start3A_346 = arith.constant 0 : i32
    %dma_start3A_347 = tpu.memref_slice %arg5[%add3A_335, %dma_start3A_345, %dma_start3A_346] : memref<8192x2x128xf32, #tpu.memory_space<hbm>> -> memref<64x2x128xf32, #tpu.memory_space<hbm>>
    %dma_start3A_348 = arith.constant 0 : i32
    %dma_start3A_349 = arith.constant 0 : i32
    %dma_start3A_350 = arith.constant 0 : i32
    %dma_start3A_351 = tpu.memref_slice %arg7[%dma_start3A_336, %dma_start3A_348, %dma_start3A_349, %dma_start3A_350] : memref<2x64x2x128xf32, #tpu.memory_space<vmem>> -> memref<1x64x2x128xf32, #tpu.memory_space<vmem>>
    %dma_start3A_352 = tpu.memref_squeeze %dma_start3A_351 : memref<1x64x2x128xf32, #tpu.memory_space<vmem>> -> memref<64x2x128xf32, #tpu.memory_space<vmem>>
    tpu.enqueue_dma source(%dma_start3A_352 : memref<64x2x128xf32, #tpu.memory_space<vmem>>) target(%dma_start3A_347 : memref<64x2x128xf32, #tpu.memory_space<hbm>>) target_semaphore(%arg15 : memref<!tpu.dma_semaphore, #tpu.memory_space<semaphore_mem>>)
    %dma_wait3A_353 = arith.constant 0 : i32
    %dma_wait3A_354 = arith.constant 0 : i32
    %dma_wait3A_355 = arith.constant 0 : i32
    %dma_wait3A_356 = arith.constant 0 : i32
    %dma_wait3A_357 = tpu.memref_slice %arg7[%dma_wait3A_353, %dma_wait3A_354, %dma_wait3A_355, %dma_wait3A_356] : memref<2x64x2x128xf32, #tpu.memory_space<vmem>> -> memref<1x64x2x128xf32, #tpu.memory_space<vmem>>
    %dma_wait3A_358 = tpu.memref_squeeze %dma_wait3A_357 : memref<1x64x2x128xf32, #tpu.memory_space<vmem>> -> memref<64x2x128xf32, #tpu.memory_space<vmem>>
    %dma_wait3A_359 = arith.constant 0 : i32
    %dma_wait3A_360 = arith.constant 0 : i32
    %dma_wait3A_361 = tpu.memref_slice %arg5[%add3A_270, %dma_wait3A_359, %dma_wait3A_360] : memref<8192x2x128xf32, #tpu.memory_space<hbm>> -> memref<64x2x128xf32, #tpu.memory_space<hbm>>
    %dma_wait3A_362 = arith.constant 0 : i32
    %dma_wait3A_363 = arith.constant 0 : i32
    %dma_wait3A_364 = tpu.memref_slice %arg5[%add3A_270, %dma_wait3A_362, %dma_wait3A_363] : memref<8192x2x128xf32, #tpu.memory_space<hbm>> -> memref<64x2x128xf32, #tpu.memory_space<hbm>>
    %dma_wait3A_365 = arith.constant 0 : i32
    %dma_wait3A_366 = arith.constant 0 : i32
    %dma_wait3A_367 = arith.constant 0 : i32
    %dma_wait3A_368 = tpu.memref_slice %arg7[%dma_wait3A_353, %dma_wait3A_365, %dma_wait3A_366, %dma_wait3A_367] : memref<2x64x2x128xf32, #tpu.memory_space<vmem>> -> memref<1x64x2x128xf32, #tpu.memory_space<vmem>>
    %dma_wait3A_369 = tpu.memref_squeeze %dma_wait3A_368 : memref<1x64x2x128xf32, #tpu.memory_space<vmem>> -> memref<64x2x128xf32, #tpu.memory_space<vmem>>
    tpu.wait_dma2 semaphore(%arg14 : memref<!tpu.dma_semaphore, #tpu.memory_space<semaphore_mem>>) src(%dma_wait3A_369 : memref<64x2x128xf32, #tpu.memory_space<vmem>>) dst(%dma_wait3A_364 : memref<64x2x128xf32, #tpu.memory_space<hbm>>)
    %dma_wait3A_370 = arith.constant 1 : i32
    %dma_wait3A_371 = arith.constant 0 : i32
    %dma_wait3A_372 = arith.constant 0 : i32
    %dma_wait3A_373 = arith.constant 0 : i32
    %dma_wait3A_374 = tpu.memref_slice %arg7[%dma_wait3A_370, %dma_wait3A_371, %dma_wait3A_372, %dma_wait3A_373] : memref<2x64x2x128xf32, #tpu.memory_space<vmem>> -> memref<1x64x2x128xf32, #tpu.memory_space<vmem>>
    %dma_wait3A_375 = tpu.memref_squeeze %dma_wait3A_374 : memref<1x64x2x128xf32, #tpu.memory_space<vmem>> -> memref<64x2x128xf32, #tpu.memory_space<vmem>>
    %dma_wait3A_376 = arith.constant 0 : i32
    %dma_wait3A_377 = arith.constant 0 : i32
    %dma_wait3A_378 = tpu.memref_slice %arg5[%add3A_335, %dma_wait3A_376, %dma_wait3A_377] : memref<8192x2x128xf32, #tpu.memory_space<hbm>> -> memref<64x2x128xf32, #tpu.memory_space<hbm>>
    %dma_wait3A_379 = arith.constant 0 : i32
    %dma_wait3A_380 = arith.constant 0 : i32
    %dma_wait3A_381 = tpu.memref_slice %arg5[%add3A_335, %dma_wait3A_379, %dma_wait3A_380] : memref<8192x2x128xf32, #tpu.memory_space<hbm>> -> memref<64x2x128xf32, #tpu.memory_space<hbm>>
    %dma_wait3A_382 = arith.constant 0 : i32
    %dma_wait3A_383 = arith.constant 0 : i32
    %dma_wait3A_384 = arith.constant 0 : i32
    %dma_wait3A_385 = tpu.memref_slice %arg7[%dma_wait3A_370, %dma_wait3A_382, %dma_wait3A_383, %dma_wait3A_384] : memref<2x64x2x128xf32, #tpu.memory_space<vmem>> -> memref<1x64x2x128xf32, #tpu.memory_space<vmem>>
    %dma_wait3A_386 = tpu.memref_squeeze %dma_wait3A_385 : memref<1x64x2x128xf32, #tpu.memory_space<vmem>> -> memref<64x2x128xf32, #tpu.memory_space<vmem>>
    tpu.wait_dma2 semaphore(%arg15 : memref<!tpu.dma_semaphore, #tpu.memory_space<semaphore_mem>>) src(%dma_wait3A_386 : memref<64x2x128xf32, #tpu.memory_space<vmem>>) dst(%dma_wait3A_381 : memref<64x2x128xf32, #tpu.memory_space<hbm>>)
    return
  }
}

</mosaic_0001>

<sc_bundles>
// kernel: kernel.3.cloned.1.call-start
scs
__scs_entry_jumppad:
0x0: {  	(pc) =	sbr.rel $0x88, $3  }
0x1: {  	(tag) =	ssettag $0x0;
	lr =	simm.s32 $0x1  }
0x2: {  	[smem:$0x3F9D] =	sst lr;
	_ =	strace $0xD0000000  }
0x3: {  	_ = 	snop  }
0x4: {  	_ = 	snop  }
0x5: {  	_ = 	snop  }
0x6: {  	_ = 	snop  }
0x7: {  	_ = 	snop  }
__scs_overlays_trampoline_lowered:
0x8: {  	[smem:$0x3FAC] =	sst s0  }
0x9: {  	[smem:$0x3FAD] =	sst s1  }
0xa: {  	[smem:$0x3FAE] =	sst s2  }
0xb: {  	[smem:$0x3FAF] =	sst s3  }
0xc: {  	[smem:$0x3FB0] =	sst s4  }
0xd: {  	[smem:$0x3FB1] =	sst s5  }
0xe: {  	[smem:$0x3FB2] =	sst s6  }
0xf: {  	[smem:$0x3FB3] =	sst s7  }
0x10: {  	[smem:$0x3FB4] =	sst s8  }
0x11: {  	[smem:$0x3FB5] =	sst s9;
	s0 =	simm.s32 @!p0 $0x0  }
0x12: {  	s1 =	sld [smem:$0x3F9B];
	s0 =	simm.s32 @p0 $0x1  }
0x13: {  	[smem:$0x3FB6] =	sst s0;
	s0 =	simm.s32 @!p1 $0x0  }
0x14: {  	s2 =	sld [smem:$0x3F9A];
	s0 =	simm.s32 @p1 $0x1  }
0x15: {  	[smem:$0x3FB7] =	sst s0;
	s0 =	simm.s32 @!p2 $0x0  }
0x16: {  	s3 =	sld [smem:$0x3FDB];
	s0 =	simm.s32 @p2 $0x1  }
0x17: {  	s4 =	simm.s32 $0x1BF5;
	[smem:$0x3FB9] =	sst s0  }
0x18: {  	s0 =	sld [smem:$0x3F9C];
	_ =	swait.ge [sflag:s4], $0x0  }
0x19: {  	s7 =	sld [smem:$0x3F9D]  }
0x1a: {  	s8 =	sadd.s32 $0xFFFFE003, lr  }
0x1b: {  	s9 =	sadd.s32 $0xFFFFFEF7, lr;
	s5 =	simm.s32 $0xFFFFFFFF;
	p2 =	slt.u32 s8, $0xFFFFF086  }
0x1c: {  	p1 =	slt.u32 s9, $0xF7A;
	s5 =	simm.s32 @!p2 $0x0  }
0x1d: {  	s5 =	simm.s32 @p1 $0x1;
	p0 =	seq.s32 s7, s2  }
0x1e: {  	s7 =	smul.u32 @!p0 $0xF7A, s2;
	p2 =	seq.s32 @!p0 s5, $0x0  }
0x1f: {  	s9 =	smul.u32 $0xF7A, s1;
	s8 =	simm.s32 @!p0 $0x1BF5;
	p2 =	por !p2, p0  }
0x20: {  	[sflag:s8] =	ssyncset.s32 @!p0 $0xFFFFF086;
	s6 =	sadd.s32 @!p0 s3, s7;
	s7 =	simm.s32 @!p0 $0x108  }
0x21: {  	s3 =	sadd.s32 s3, s9;
	s6 =	sadd.s32 @!p0 $0x88, s6;
	s7 =	simm.s32 @p2 $0x1082  }
0x22: {  	[simem:s7], [sflag:s8] =	dma.local @!p0 [hbm:s6], $0xF7A  }
0x23: {  	s9 =	sor.u32 $0xD0000000, s2;
	s6 =	simm.s32 $0x108;
	_ =	swait.ge @!p0 [sflag:s8], $0x0  }
0x24: {  	s3 =	sadd.s32 $0x88, s3;
	s6 =	simm.s32 @!p1 $0x1082;
	[sflag:s4] =	ssyncset.s32 $0xFFFFF086  }
0x25: {  	[simem:s6], [sflag:s4] =	dma.local [hbm:s3], $0xF7A  }
0x26: {  	[smem:$0x3F9D] =	sst s1;
	(tag) =	ssettag s2;
	_ =	strace s9  }
0x27: {  	s1 =	sld [smem:$0x3FAD]  }
0x28: {  	s2 =	sld [smem:$0x3FAE]  }
0x29: {  	s4 =	sld [smem:$0x3FB0]  }
0x2a: {  	p0 =	seq.s32 s5, $0x0;
	s5 =	sld [smem:$0x3FB1]  }
0x2b: {  	s6 =	sld [smem:$0x3FB2]  }
0x2c: {  	s7 =	sld [smem:$0x3FB3]  }
0x2d: {  	s3 =	simm.s32 $0x108;
	s8 =	sld [smem:$0x3FB4]  }
0x2e: {  	s3 =	simm.s32 @!p0 $0x1082;
	s9 =	sld [smem:$0x3FB5]  }
0x2f: {  	lr =	sadd.s32 s0, s3;
	s0 =	sld [smem:$0x3FAC]  }
0x30: {  	s3 =	sld [smem:$0x3FAF]  }
0x31: {  	[smem:$0x3FB8] =	sst s10  }
0x32: {  	s10 =	sld [smem:$0x3FB6];
	_ =	sdelay $0x3  }
0x33: {  	p0 =	seq.s32 s10, $0x1;
	s10 =	sld [smem:$0x3FB8];
	_ =	sdelay $0x3  }
0x34: {  	[smem:$0x3FB8] =	sst s10  }
0x35: {  	s10 =	sld [smem:$0x3FB7];
	_ =	sdelay $0x3  }
0x36: {  	p1 =	seq.s32 s10, $0x1;
	s10 =	sld [smem:$0x3FB8];
	_ =	sdelay $0x3  }
0x37: {  	[smem:$0x3FB8] =	sst s10  }
0x38: {  	s10 =	sld [smem:$0x3FB9]  }
0x39: {  	_ = 	snop;
	(pc) =	sbr.ind lr, $3  }
0x3a: {  	_ = 	snop  }
0x3b: {  	_ = 	snop  }
0x3c: {  	p2 =	seq.s32 s10, $0x1;
	s10 =	sld [smem:$0x3FB8]  }
0x3d: {  	_ =	shalt  }
0x3e: {  	_ =	shalt  }
0x3f: {  	_ =	shalt  }
0x40: {  	_ =	shalt  }
0x41: {  	_ =	shalt  }
0x42: {  	_ =	shalt  }
0x43: {  	_ =	shalt  }
0x44: {  	_ =	shalt  }
0x45: {  	_ =	shalt  }
0x46: {  	_ =	shalt  }
0x47: {  	_ =	shalt  }
0x48: {  	_ =	shalt  }
0x49: {  	_ =	shalt  }
0x4a: {  	_ =	shalt  }
0x4b: {  	_ =	shalt  }
0x4c: {  	_ =	shalt  }
0x4d: {  	_ =	shalt  }
0x4e: {  	_ =	shalt  }
0x4f: {  	_ =	shalt  }
0x50: {  	_ =	shalt  }
0x51: {  	_ =	shalt  }
0x52: {  	_ =	shalt  }
0x53: {  	_ =	shalt  }
0x54: {  	_ =	shalt  }
0x55: {  	_ =	shalt  }
0x56: {  	_ =	shalt  }
0x57: {  	_ =	shalt  }
0x58: {  	_ =	shalt  }
0x59: {  	_ =	shalt  }
0x5a: {  	_ =	shalt  }
0x5b: {  	_ =	shalt  }
0x5c: {  	_ =	shalt  }
0x5d: {  	_ =	shalt  }
0x5e: {  	_ =	shalt  }
0x5f: {  	_ =	shalt  }
0x60: {  	_ =	shalt  }
0x61: {  	_ =	shalt  }
0x62: {  	_ =	shalt  }
0x63: {  	_ =	shalt  }
0x64: {  	_ =	shalt  }
0x65: {  	_ =	shalt  }
0x66: {  	_ =	shalt  }
0x67: {  	_ =	shalt  }
0x68: {  	_ =	shalt  }
0x69: {  	_ =	shalt  }
0x6a: {  	_ =	shalt  }
0x6b: {  	_ =	shalt  }
0x6c: {  	_ =	shalt  }
0x6d: {  	_ =	shalt  }
0x6e: {  	_ =	shalt  }
0x6f: {  	_ =	shalt  }
0x70: {  	_ =	shalt  }
0x71: {  	_ =	shalt  }
0x72: {  	_ =	shalt  }
0x73: {  	_ =	shalt  }
0x74: {  	_ =	shalt  }
0x75: {  	_ =	shalt  }
0x76: {  	_ =	shalt  }
0x77: {  	_ =	shalt  }
0x78: {  	_ =	shalt  }
0x79: {  	_ =	shalt  }
0x7a: {  	_ =	shalt  }
0x7b: {  	_ =	shalt  }
0x7c: {  	_ =	shalt  }
0x7d: {  	_ =	shalt  }
0x7e: {  	_ =	shalt  }
0x7f: {  	_ =	shalt  }
0x80: {  	_ =	shalt  }
0x81: {  	_ =	shalt  }
0x82: {  	_ =	shalt  }
0x83: {  	_ =	shalt  }
0x84: {  	_ =	shalt  }
0x85: {  	_ =	shalt  }
0x86: {  	_ =	shalt  }
0x87: {  	_ =	shalt  }
.Lfunc_end0:
.L_simem_size_0:
called_computation_lowered:
.L_overlay_start_0:
0x88: {  	s2 =	sld [smem:$0x3FD9]  }
0x89: {  	s3 =	sld [smem:$0x3FFE];
	_ =	sdelay $0x1  }
0x8a: {  	s1 =	srdreg.scid  }
0x8b: {  	s0 =	sand.u32 $0x1, s1  }
0x8c: {  	s17 =	sshll.u32 s0, $0xA;
	s2 =	sadd.s32 s3, s2  }
0x8d: {  	s2 =	sadd.s32 s2, s17  }
0x8e: {  	[smem:$0x3FC4] =	sst s2  }
0x8f: {  	_ = 	snop  }
0x90: {  	s2 =	sld [smem:$0x3FC9]  }
0x91: {  	s18 =	sld [smem:$0x3FC8]  }
0x92: {  	s4 =	sld [smem:$0x3FD0];
	(tm) =	ssettm $0x1  }
0x93: {  	s5 =	sld [smem:$0x3FFB];
	_ =	sdelay $0x3  }
0x94: {  	_ =	strace s5  }
0x95: {  	s5 =	sld [smem:$0x3FFC];
	_ =	sdelay $0x3  }
0x96: {  	_ =	strace s5  }
0x97: {  	s5 =	sld [smem:$0x3FFD];
	_ =	sdelay $0x3  }
0x98: {  	_ =	strace s5  }
0x99: {  	_ =	strace $0x8FFFFFFF  }
0x9a: {  	s19 =	sld [smem:$0x3FDB];
	_ =	sdelay $0x1  }
0x9b: {  	s6 =	simm.s32 $_scs_section_size  }
0x9c: {  	s7 =	simm.s32 $_size__tile_overlayer_lowered;
	s8 =	simm.s32 $_tile_overlayer_lowered  }
0x9d: {  	s22 =	simm.s32 $0x1BFF;
	s21 =	sshll.u32 s8, $0x1;
	s5 =	sadd.s32 s6, s19  }
0x9e: {  	s9 =	simm.s32 $0x0;
	s20 =	sshll.u32 s7, $0x1;
	s7 =	sadd.s32 s21, s5  }
0x9f: {  	[timem:s9], [sflag:s22] =	dma.local [hbm:s7], s20  }
0xa0: {  	_ =	swait.ge [sflag:s22], s20  }
0xa1: {  	s6 =	ssub.s32 $0x0, s20;
	[sflag:s22] =	ssyncset.done $0x0  }
0xa2: {  	[sflag:s22] =	ssyncadd.s32 s6;
	_ =	sdelay $0x1  }
0xa3: {  	s23 =	simm.s32 $0x1B8B  }
0xa4: {  	_ =	swait.ge [sflag:s23], $0x1  }
0xa5: {  	[sflag:s23] =	ssyncset.done $0x0  }
0xa6: {  	s25 =	simm.s32 $0x1B8E;
	s24 =	sld [smem:$0x3FFE];
	[sflag:s23] =	ssyncadd.s32 $0xFFFFFFFF  }
0xa7: {  	s26 =	simm.s32 $execute0_lowered;
	[smem:$0x3FD2] =	sst s25  }
0xa8: {  	s7 =	sshll.u32 s26, $0x1;
	_ =	strace $0x80000046;
	[dreg:$0x1] =	wrdreg $0xFFFFFFFF  }
0xa9: {  	s28 =	simm.s32 $_size_execute0_lowered;
	s5 =	sadd.s32 s5, s7;
	[dreg:$0x0] =	wrdreg $0x0  }
0xaa: {  	s7 =	sshll.u32 s28, $0x1;
	[dreg:$0x2] =	wrdreg s5  }
0xab: {  	[dreg:$0x3] =	wrdreg s7  }
0xac: {  	[dreg:$0x4] =	wrdreg $0xC0  }
0xad: {  	_ =	task [dreg:s9], $0x5FFFF  }
0xae: {  	[dreg:$0x1] =	wrdreg $0xFFFFFFFF  }
0xaf: {  	[dreg:$0x0] =	wrdreg $0x60  }
0xb0: {  	[dreg:$0x2] =	wrdreg s2  }
0xb1: {  	[dreg:$0x3] =	wrdreg s18  }
0xb2: {  	[dreg:$0x4] =	wrdreg s24  }
0xb3: {  	[dreg:$0x5] =	wrdreg s4  }
0xb4: {  	[dreg:$0x6] =	wrdreg $0x9  }
0xb5: {  	_ =	task.clear_ibuf [dreg:s9], $0x7FFFF;
	_ =	strace $0x90000046  }
0xb6: {  	s29 =	simm.s32 $0x9;
	_ =	strace $0x80000048  }
0xb7: {  	_ =	swait.ge [sflag:s29], $0x1  }
0xb8: {  	[sflag:s29] =	ssyncadd.s32 $0xFFFFFFFF  }
0xb9: {  	_ =	strace $0x90000048  }
0xba: {  	_ =	sfence  }
0xbb: {  	s30 =	sld [smem:$0x0];
	_ =	sdelay $0x2  }
0xbc: {  	s31 =	sshll.u32 s1, $0xD;
	s1 =	sshrl.u32 s1, $0x2  }
0xbd: {  	s3 =	sand.u32 $0x4000, s31;
	s1 =	sadd.s32 s1, s30  }
0xbe: {  	s0 =	sor.u32 s3, s0;
	s1 =	sshll.u32 s1, $0x11  }
0xbf: {  	s0 =	sor.u32 s1, s0  }
0xc0: {  	s0 =	sadd.s32 $0x8F2B, s0  }
0xc1: {  	[sflag:s0] =	ssyncadd.remote.s32 $0x1  }
0xc2: {  	_ =	sfence.sel $0xFFFF  }
0xc3: {  	[dreg:$0x0] =	wrdreg $0xFFFFFFFF;
	(pc) =	sbr.abs _section_cstart, $3  }
0xc4: {  	[dreg:$0x1] =	wrdreg $0xFFFFFFFF  }
0xc5: {  	_ =	task.clear_ibuf [dreg:s9], $0x2FFFF;
	_ =	strace $0x9FFFFFFF  }
0xc6: {  	(tm) =	ssettm $0x7FFFFFFF  }
0xc7: {  	_ =	shalt  }
tec
execute0_lowered:
.L_overlay_start_1:
0x0: {  	(tag) =	ssettag $0x1  }
0x1: {  	s0 =	rddreg [dreg:$0x0]  }
0x2: {  	s1 =	rddreg [dreg:$0x1]  }
0x3: {  	s3 =	rddreg [dreg:$0x2]  }
0x4: {  	s4 =	rddreg [dreg:$0x3];
	s2 =	simm.s32 $0x0;
	s5 =	srdreg.scid  }
0x5: {  	s6 =	stileid.u32;
	s28 =	simm.s32 $0x10000;
	s29 =	simm.s32 $0x5  }
0x6: {  	s30 =	simm.s32 $0x6;
	s31 =	simm.s32 $0x0;
	[smem:$0x7FF] =	sst s2  }
0x7: {  	s5 =	sand.u32 $0x1, s5;
	s6 =	sshll.u32 s6, $0x1;
	s3 =	sadd.s32 $0x400, s3  }
0x8: {  	_ =	strace $0x80000047;
	s7 =	ssub.s32 $0x2, s5;
	s5 =	sor.u32 s5, s6  }
0x9: {  	[dreg:$0x5] =	wrdreg s3;
	s17 =	sshrl.u32 s7, $0x1;
	s6 =	sshll.u32 s5, $0x8  }
0xa: {  	s18 =	sshll.u32 s5, $0xD;
	s5 =	sshll.u32 s5, $0xC;
	s3 =	ssub.s32 s7, s17  }
0xb: {  	s8 =	sor.u32 $0x40, s6;
	s9 =	sadd.s32 s0, s18;
	s5 =	sadd.s32 s1, s5  }
0xc: {  	s21 =	sadd.s32 s4, s18;
	s22 =	sor.u32 $0x80, s6;
	[dreg:$0x6] =	wrdreg s9  }
0xd: {  	s6 =	sor.u32 $0xC0, s6;
	s18 =	simm.s32 $0x7;
	[dreg:$0x7] =	wrdreg s5  }
0xe: {  	s11 =	sshll.u32 s8, $0x5;
	s20 =	sshll.u32 s8, $0x4;
	[dreg:$0xa] =	wrdreg s21  }
0xf: {  	s23 =	sshll.u32 s22, $0x5;
	s25 =	sshll.u32 s6, $0x5;
	s26 =	sshll.u32 s6, $0x4  }
0x10: {  	s16 =	smax.u32 s3, $0x1;
	s19 =	sadd.s32 s0, s11;
	s5 =	sadd.s32 s1, s20  }
0x11: {  	s24 =	sadd.s32 s0, s23;
	s11 =	sadd.s32 s4, s11;
	s12 =	sadd.s32 s0, s25  }
0x12: {  	s13 =	sadd.s32 s1, s26;
	s14 =	sadd.s32 s4, s23;
	s15 =	sadd.s32 s4, s25  }
0x13: {  	s23 =	simm.s32 $0x3;
	s25 =	simm.s32 $0x2;
	[dreg:$0x8] =	wrdreg s19  }
0x14: {  	s26 =	simm.s32 $0x4;
	[dreg:$0x9] =	wrdreg s5;
	s5 =	sshll.u32 s22, $0x4  }
0x15: {  	[dreg:$0xb] =	wrdreg s24;
	s22 =	simm.s32 $0x1;
	s10 =	sadd.s32 s1, s5  }
.LBB2_1:
0x16: {  	s0 =	rddreg [dreg:$0x5];
	s1 =	simm.s32 $0x14000  }
0x17: {  	[tilespmem:s1], [sflag:$0x7] =	stream.linear.gather [hbm4b:s0+s2], $0x40, $0x38;
	[tilespmem:$0x14040] =	vst v63  }
0x18: {  	_ =	swait.ge [sflag:s18], $0x40  }
0x19: {  	[sflag:s18] =	ssyncset.done $0x0  }
0x1a: {  	[sflag:s18] =	ssyncadd.s32 $0xFFFFFFC0  }
0x1b: {  	v2 =	vld [tilespmem:$0x14000]  }
0x1c: {  	v3 =	vld [tilespmem:$0x14010]  }
0x1d: {  	s17 =	rddreg [dreg:$0x6];
	v1 =	vld [tilespmem:$0x14020]  }
0x1e: {  	v0 =	vld [tilespmem:$0x14030];
	[tilespmem:s2], [sflag:$0x1] =	stream.linear.gather [hbm4b:s17+s2], $0x4000, $0x38  }
0x1f: {  	s19 =	rddreg [dreg:$0x7]  }
0x20: {  	[tilespmem:s28], [sflag:$0x3] =	stream.linear.gather [hbm4b:s19+s2], $0x2000, $0x38;
	[tilespmem:$0x14040] =	vst v63  }
0x21: {  	s21 =	simm.s32 $0x4000;
	s20 =	rddreg [dreg:$0x8]  }
0x22: {  	[tilespmem:s21], [sflag:$0x2] =	stream.linear.gather [hbm4b:s20+s2], $0x4000, $0x38;
	[tilespmem:$0x14040] =	vst v63  }
0x23: {  	s24 =	rddreg [dreg:$0x9];
	s28 =	simm.s32 $0x12000  }
0x24: {  	[tilespmem:s28], [sflag:$0x4] =	stream.linear.gather [hbm4b:s24+s2], $0x2000, $0x38;
	[tilespmem:$0x14040] =	vst v63  }
0x25: {  	_ =	swait.ge [sflag:s22], $0x4000  }
0x26: {  	[sflag:s22] =	ssyncset.done $0x0  }
0x27: {  	[sflag:s22] =	ssyncadd.s32 $0xFFFFC000  }
0x28: {  	s3 =	simm.s32 $0x0;
	_ =	swait.ge [sflag:s23], $0x2000  }
0x29: {  	s4 =	sand.u32 $0x3F00, s2;
	s0 =	sand.u32 $0x60, s3;
	[sflag:s23] =	ssyncset.done $0x0  }
0x2a: {  	s5 =	sor.u32 s0, s4;
	[sflag:s23] =	ssyncadd.s32 $0xFFFFE000  }
0x2b: {  	s6 =	simm.s32 $0x10;
	v4 =	vld [tilespmem:s5+$0x0]  }
0x2c: {  	s0 =	sand.u32 $0x70, s6;
	v5 =	vld [tilespmem:s5+$0x80]  }
0x2d: {  	s17 =	sor.u32 s4, s0  }
0x2e: {  	v6 =	vld [tilespmem:s17+$0x0]  }
0x2f: {  	v7 =	vld [tilespmem:s17+$0x80]  }
0x30: {  	s7 =	simm.s32 $0x20;
	s8 =	simm.s32 $0x40  }
0x31: {  	s1 =	sand.u32 $0x3F00, s8;
	s0 =	sand.u32 $0x60, s7;
	v4 =	vmul.f32 v4, v2;
	v5 =	vmul.f32 v5, v3  }
0x32: {  	s3 =	simm.s32 $0x30;
	s6 =	sor.u32 s0, s1  }
0x33: {  	s9 =	sand.u32 $0x70, s3;
	v10 =	vadd.f32 v4, v1;
	v11 =	vadd.f32 v5, v0;
	v4 =	vmul.f32 v6, v2;
	v6 =	vld [tilespmem:s6+$0x0]  }
0x34: {  	s0 =	sor.u32 s1, s9;
	v5 =	vmul.f32 v7, v3;
	v7 =	vld [tilespmem:s6+$0x80]  }
0x35: {  	v8 =	vmul.f32 v10, v10;
	v9 =	vmul.f32 v11, v11;
	v16 =	vadd.f32 v4, v1;
	v4 =	vld [tilespmem:s0+$0x0]  }
0x36: {  	v20 =	vadd.f32 v5, v0  }
0x37: {  	v5 =	vadd.f32 v9, v8;
	v8 =	vmul.f32 v16, v16;
	v9 =	vld [tilespmem:s0+$0x80]  }
0x38: {  	s19 =	simm.s32 $0x40;
	s20 =	simm.s32 $0x80;
	v12 =	vmul.f32 v20, v20;
	v6 =	vmul.f32 v6, v2  }
0x39: {  	s1 =	sand.u32 $0x60, s19;
	s4 =	sand.u32 $0x3F00, s20;
	v7 =	vmul.f32 v7, v3;
	v5 =	vmul.f32 $-5.000000000e-01, v5  }
0x3a: {  	s7 =	simm.s32 $0x50;
	s3 =	sor.u32 s1, s4;
	v8 =	vadd.f32 v12, v8;
	v4 =	vmul.f32 v4, v2  }
0x3b: {  	s21 =	sand.u32 $0x70, s7;
	v19 =	vadd.f32 v6, v1;
	v17 =	vadd.f32 v7, v0;
	v6 =	vld [tilespmem:s3+$0x0];
	v12 =	vmul.f32 $1.442695020e+00, v5  }
0x3c: {  	s1 =	sor.u32 s4, s21;
	v7 =	vmul.f32 $-5.000000000e-01, v8;
	v8 =	vld [tilespmem:s3+$0x80];
	v5 =	vmul.f32 v9, v3  }
0x3d: {  	v14 =	vld [tilespmem:s1+$0x0];
	v9 =	vmul.f32 v19, v19;
	v13 =	vmul.f32 v17, v17;
	v4 =	vadd.f32 v4, v1  }
0x3e: {  	(erf) = vpow2.f32 v12;
	v5 =	vadd.f32 v5, v0  }
0x3f: {  	v12 =	vld [tilespmem:s1+$0x80];
	v7 =	vmul.f32 $1.442695020e+00, v7;
	v9 =	vadd.f32 v13, v9;
	v13 =	vmul.f32 v4, v4  }
0x40: {  	s8 =	simm.s32 $0x10010;
	v6 =	vmul.f32 v6, v2;
	v15 =	vmul.f32 v5, v5  }
0x41: {  	s20 =	simm.s32 $0x70;
	s24 =	simm.s32 $0x60;
	s28 =	simm.s32 $0xC0;
	v9 =	vmul.f32 $-5.000000000e-01, v9;
	v8 =	vmul.f32 v8, v3  }
0x42: {  	s9 =	sand.u32 $0x70, s20;
	s4 =	sand.u32 $0x60, s24;
	s7 =	sand.u32 $0x3F00, s28;
	v14 =	vmul.f32 v14, v2;
	(erf) = vpow2.f32 v7;
	v7 =	vadd.f32 v6, v1  }
0x43: {  	s19 =	sor.u32 s4, s7;
	s4 =	sor.u32 s7, s9;
	v18 =	vld [tilespmem:s8+$0xFFFFFFF0];
	v13 =	vadd.f32 v15, v13;
	v15 =	vmul.f32 $1.442695020e+00, v9;
	v9 =	vadd.f32 v8, v0  }
0x44: {  	v6 =	vadd.f32 v14, v1;
	v14 =	vld [tilespmem:s4+$0x0];
	v8 =	vmul.f32 v12, v3  }
0x45: {  	v12 =	vld [tilespmem:s19+$0x0];
	v21 =	vmul.f32 v7, v7;
	v22 =	vmul.f32 v9, v9  }
0x46: {  	v13 =	vmul.f32 $-5.000000000e-01, v13;
	(erf) = vpow2.f32 v15;
	v15 =	vld [tilespmem:s19+$0x80]  }
0x47: {  	v8 =	vadd.f32 v8, v0;
	v24 =	vpop (erf);
	v21 =	vadd.f32 v22, v21  }
0x48: {  	v23 =	vld [tilespmem:s8+$0x0];
	v13 =	vmul.f32 $1.442695020e+00, v13;
	vm0 =	vgt.f32 v24, v18;
	v18 =	vmul.f32 v6, v6  }
0x49: {  	v22 =	vld [tilespmem:s4+$0x80];
	v24 =	vmul.f32 v8, v8;
	v25 =	vnsel vm0, $0x0, v11;
	v11 =	vmul.f32 $-5.000000000e-01, v21  }
0x4a: {  	s20 =	simm.s32 $0x10030;
	(erf) = vpow2.f32 v13;
	v26 =	vnsel vm0, $0x0, v10;
	v10 =	vmul.f32 v12, v2  }
0x4b: {  	v21 =	vld [tilespmem:s20+$0xFFFFFFF0];
	v12 =	vmul.f32 v15, v3;
	v15 =	vadd.f32 v24, v18;
	v18 =	vmul.f32 v14, v2  }
0x4c: {  	s21 =	simm.s32 $0x100;
	s24 =	simm.s32 $0x80;
	v13 =	vpop (erf)  }
0x4d: {  	s8 =	sand.u32 $0x60, s24;
	s24 =	sand.u32 $0x3F00, s21;
	v24 =	vmul.f32 $1.442695020e+00, v11;
	v10 =	vadd.f32 v10, v1;
	vm15 =	vgt.f32 v13, v23  }
0x4e: {  	s28 =	simm.s32 $0x90;
	v14 =	vld [tilespmem:s20+$0x0];
	s20 =	sor.u32 s8, s24;
	v13 =	vadd.f32 v12, v0;
	v12 =	vmul.f32 v22, v3;
	v22 =	vmul.f32 $-5.000000000e-01, v15  }
0x4f: {  	s7 =	sand.u32 $0x70, s28;
	[tilespmem:s5+$0x8080] =	vst v25;
	v11 =	vadd.f32 v18, v1;
	v15 =	vld [tilespmem:s20+$0x0];
	v23 =	vmul.f32 v10, v10;
	(erf) = vpow2.f32 v24;
	v18 =	vpop (erf)  }
0x50: {  	[tilespmem:s5+$0x8000] =	vst v26;
	s5 =	sor.u32 s24, s7;
	v25 =	vmul.f32 v13, v13;
	v22 =	vmul.f32 $1.442695020e+00, v22;
	vm1 =	vgt.f32 v18, v21;
	v18 =	vld [tilespmem:s20+$0x80]  }
0x51: {  	v12 =	vadd.f32 v12, v0;
	v21 =	vnsel vm1, $0x0, v17;
	v17 =	vld [tilespmem:s5+$0x0]  }
0x52: {  	v24 =	vadd.f32 v25, v23;
	v25 =	vnsel vm1, $0x0, v19;
	v19 =	vld [tilespmem:s5+$0x80];
	[tilespmem:s6+$0x8080] =	vst v21  }
0x53: {  	v23 =	vmul.f32 v12, v12;
	v21 =	vmul.f32 v11, v11;
	[tilespmem:s6+$0x8000] =	vst v25;
	s6 =	simm.s32 $0x10050;
	v25 =	vnsel vm15, $0x0, v16  }
0x54: {  	s7 =	simm.s32 $0x8;
	s8 =	simm.s32 $0xB0;
	v20 =	vnsel vm15, $0x0, v20;
	(erf) = vpow2.f32 v22;
	v24 =	vmul.f32 $-5.000000000e-01, v24;
	v16 =	vld [tilespmem:s6+$0xFFFFFFF0];
	v22 =	vpop (erf);
	[tilespmem:s17+$0x8000] =	vst v25  }
.LBB2_2:
0x55: {  	s24 =	sadd.s32 $0xFFFFFFF0, s8;
	s28 =	sand.u32 $0x70, s8;
	v15 =	vmul.f32 v15, v2;
	v18 =	vmul.f32 v18, v3;
	s21 =	sadd.s32 $0x40, s21;
	v21 =	vadd.f32 v23, v21;
	v23 =	vld [tilespmem:s6+$0x0];
	[tilespmem:s17+$0x8080] =	vst v20  }
0x56: {  	s7 =	sadd.s32 $0x2, s7;
	vm0 =	vgt.f32 v22, v14;
	v25 =	vmovc v11;
	v22 =	vmovc v5;
	s17 =	sand.u32 $0x60, s24;
	s24 =	sand.u32 $0x3F00, s21;
	v17 =	vmul.f32 v17, v2;
	v20 =	vmul.f32 $1.442695020e+00, v24  }
0x57: {  	v5 =	vmovc v8;
	p0 =	slt.u32 s7, $0x1FE;
	s9 =	sor.u32 s17, s24;
	s24 =	sor.u32 s24, s28;
	v24 =	vadd.f32 v15, v1;
	v26 =	vadd.f32 v18, v0;
	v19 =	vmul.f32 v19, v3  }
0x58: {  	v27 =	vmul.f32 $-5.000000000e-01, v21;
	s17 =	smov.u32 s0;
	s0 =	smov.u32 s1;
	s1 =	smov.u32 s4;
	v15 =	vld [tilespmem:s9+$0x0];
	v11 =	vadd.f32 v17, v1;
	(erf) = vpow2.f32 v20;
	v8 =	vpop (erf)  }
.Ltmp0:
0x59: {  	s4 =	smov.u32 s5;
	s5 =	smov.u32 s24;
	v18 =	vld [tilespmem:s9+$0x80];
	v20 =	vmul.f32 v24, v24;
	v28 =	vmul.f32 v26, v26;
	vm1 =	vgt.f32 v8, v16;
	v8 =	vmovc v12;
	(pc) =	sbr.rel @p0 .LBB2_2-.Ltmp0, $4  }
0x5a: {  	v12 =	vadd.f32 v19, v0;
	v17 =	vld [tilespmem:s5+$0x0];
	v21 =	vmul.f32 v11, v11;
	v16 =	vnsel vm1, $0x0, v9;
	v14 =	vmovc v23;
	v9 =	vmovc v13  }
0x5b: {  	v27 =	vmul.f32 $1.442695020e+00, v27;
	v30 =	vnsel vm1, $0x0, v7;
	v7 =	vmovc v10;
	v10 =	vmovc v24;
	v19 =	vld [tilespmem:s5+$0x80];
	v28 =	vadd.f32 v28, v20;
	[tilespmem:s3+$0x8080] =	vst v16  }
0x5c: {  	s6 =	sadd.s32 $0x20, s6;
	v29 =	vnsel vm0, $0x0, v4;
	v4 =	vmovc v6;
	v13 =	vmovc v26;
	v23 =	vmul.f32 v12, v12;
	v20 =	vnsel vm0, $0x0, v22;
	[tilespmem:s3+$0x8000] =	vst v30;
	s3 =	smov.u32 s19;
	s19 =	smov.u32 s20  }
0x5d: {  	s8 =	sadd.s32 $0x20, s8;
	v6 =	vmov v25;
	s20 =	smov.u32 s9;
	v24 =	vmul.f32 $-5.000000000e-01, v28;
	v16 =	vld [tilespmem:s6+$0xFFFFFFF0];
	(erf) = vpow2.f32 v27;
	v22 =	vpop (erf);
	[tilespmem:s17+$0x8000] =	vst v29  }
0x5e: {  	v15 =	vmul.f32 v15, v2;
	v18 =	vmul.f32 v18, v3;
	_ =	sdelay $0x1  }
0x5f: {  	v15 =	vadd.f32 v15, v1;
	v18 =	vadd.f32 v18, v0;
	_ =	sdelay $0x1  }
0x60: {  	v21 =	vadd.f32 v23, v21;
	v23 =	vmul.f32 v15, v15;
	v25 =	vmul.f32 v18, v18;
	_ =	sdelay $0x1  }
0x61: {  	v23 =	vadd.f32 v25, v23  }
0x62: {  	v17 =	vmul.f32 v17, v2  }
0x63: {  	v19 =	vmul.f32 v19, v3;
	v23 =	vmul.f32 $-5.000000000e-01, v23  }
0x64: {  	v24 =	vmul.f32 $1.442695020e+00, v24;
	v21 =	vmul.f32 $-5.000000000e-01, v21  }
0x65: {  	v17 =	vadd.f32 v17, v1;
	v19 =	vadd.f32 v19, v0;
	v23 =	vmul.f32 $1.442695020e+00, v23  }
0x66: {  	(erf) = vpow2.f32 v24;
	v21 =	vmul.f32 $1.442695020e+00, v21  }
0x67: {  	v24 =	vmul.f32 v17, v17;
	v25 =	vmul.f32 v19, v19  }
0x68: {  	(erf) = vpow2.f32 v21  }
0x69: {  	v24 =	vadd.f32 v25, v24;
	(erf) = vpow2.f32 v23;
	v23 =	vpop (erf)  }
0x6a: {  	s7 =	sadd.s32 $0x20, s6;
	vm0 =	vgt.f32 v23, v16  }
0x6b: {  	v21 =	vmul.f32 $-5.000000000e-01, v24;
	v24 =	vld [tilespmem:s7+$0xFFFFFFF0];
	v9 =	vnsel vm0, $0x0, v9;
	_ =	sdelay $0x2  }
0x6c: {  	vm1 =	vgt.f32 v22, v14;
	v16 =	vmul.f32 $1.442695020e+00, v21;
	[tilespmem:s3+$0x8080] =	vst v9;
	v9 =	vpop (erf)  }
0x6d: {  	[tilespmem:s17+$0x8080] =	vst v20;
	v5 =	vnsel vm1, $0x0, v5;
	v21 =	vld [tilespmem:s6+$0x0];
	v14 =	vpop (erf)  }
0x6e: {  	s17 =	sadd.s32 $0x20, s7;
	[tilespmem:s0+$0x8080] =	vst v5;
	v7 =	vnsel vm0, $0x0, v7;
	(erf) = vpow2.f32 v16;
	vm8 =	vgt.f32 v14, v24  }
0x6f: {  	[tilespmem:s3+$0x8000] =	vst v7;
	v7 =	vld [tilespmem:s17+$0xFFFFFFF0];
	v5 =	vnsel vm8, $0x0, v13  }
0x70: {  	v4 =	vnsel vm1, $0x0, v4  }
0x71: {  	[tilespmem:s0+$0x8000] =	vst v4;
	v4 =	vld [tilespmem:s7+$0x0]  }
0x72: {  	vm9 =	vgt.f32 v9, v21;
	v9 =	vnsel vm8, $0x0, v10;
	[tilespmem:s19+$0x8080] =	vst v5;
	v5 =	vpop (erf)  }
0x73: {  	v6 =	vnsel vm9, $0x0, v6;
	[tilespmem:s19+$0x8000] =	vst v9;
	v9 =	vld [tilespmem:s17+$0x0];
	v10 =	vpop (erf)  }
0x74: {  	v8 =	vnsel vm9, $0x0, v8;
	[tilespmem:s1+$0x8000] =	vst v6;
	vm10 =	vgt.f32 v10, v7  }
0x75: {  	[tilespmem:s1+$0x8080] =	vst v8;
	v6 =	vnsel vm10, $0x0, v18  }
0x76: {  	vm11 =	vgt.f32 v5, v4;
	v4 =	vnsel vm10, $0x0, v15;
	[tilespmem:s20+$0x8080] =	vst v6  }
0x77: {  	v5 =	vpop (erf);
	[tilespmem:s20+$0x8000] =	vst v4;
	v4 =	vnsel vm11, $0x0, v11  }
0x78: {  	v6 =	vnsel vm11, $0x0, v12;
	vm12 =	vgt.f32 v5, v9;
	[tilespmem:s4+$0x8000] =	vst v4  }
0x79: {  	[tilespmem:s4+$0x8080] =	vst v6;
	v4 =	vnsel vm12, $0x0, v17  }
0x7a: {  	v5 =	vnsel vm12, $0x0, v19;
	[tilespmem:s5+$0x8000] =	vst v4  }
0x7b: {  	[tilespmem:s5+$0x8080] =	vst v5  }
0x7c: {  	s21 =	simm.s32 $0x0;
	s24 =	simm.s32 $0x8000;
	s1 =	rddreg [dreg:$0xa]  }
0x7d: {  	[hbm4b:s1+s21] =	stream.linear.scatter [tilespmem:s24], [sflag:$0x5], $0x4000, $0x38;
	[tilespmem:$0x14040] =	vst v63  }
0x7e: {  	s4 =	rddreg [dreg:$0xb]  }
0x7f: {  	[tilespmem:s21], [sflag:$0x1] =	stream.linear.gather [hbm4b:s4+s21], $0x4000, $0x38;
	[tilespmem:$0x14040] =	vst v63  }
0x80: {  	s28 =	simm.s32 $0x10000  }
0x81: {  	[tilespmem:s28], [sflag:$0x3] =	stream.linear.gather [hbm4b:s10+s21], $0x2000, $0x38;
	[tilespmem:$0x14040] =	vst v63  }
0x82: {  	_ =	swait.ge [sflag:s25], $0x4000  }
0x83: {  	[sflag:s25] =	ssyncset.done $0x0  }
0x84: {  	[sflag:s25] =	ssyncadd.s32 $0xFFFFC000  }
0x85: {  	s5 =	simm.s32 $0x0;
	_ =	swait.ge [sflag:s26], $0x2000  }
0x86: {  	s0 =	sand.u32 $0x3F00, s21;
	s1 =	sand.u32 $0x60, s5;
	[sflag:s26] =	ssyncset.done $0x0  }
0x87: {  	s5 =	sor.u32 s1, s0;
	[sflag:s26] =	ssyncadd.s32 $0xFFFFE000  }
0x88: {  	s6 =	simm.s32 $0x10;
	v4 =	vld [tilespmem:s5+$0x4000]  }
0x89: {  	s1 =	sand.u32 $0x70, s6;
	v5 =	vld [tilespmem:s5+$0x4080]  }
0x8a: {  	s17 =	sor.u32 s0, s1  }
0x8b: {  	v6 =	vld [tilespmem:s17+$0x4000]  }
0x8c: {  	v7 =	vld [tilespmem:s17+$0x4080]  }
0x8d: {  	s8 =	simm.s32 $0x40;
	s7 =	simm.s32 $0x20  }
0x8e: {  	s0 =	sand.u32 $0x60, s7;
	s1 =	sand.u32 $0x3F00, s8;
	v4 =	vmul.f32 v4, v2;
	v5 =	vmul.f32 v5, v3  }
0x8f: {  	s9 =	simm.s32 $0x30;
	s6 =	sor.u32 s0, s1  }
0x90: {  	s19 =	sand.u32 $0x70, s9;
	v10 =	vadd.f32 v4, v1;
	v11 =	vadd.f32 v5, v0;
	v4 =	vmul.f32 v6, v2;
	v6 =	vld [tilespmem:s6+$0x4000]  }
0x91: {  	s0 =	sor.u32 s1, s19;
	v5 =	vmul.f32 v7, v3;
	v7 =	vld [tilespmem:s6+$0x4080]  }
0x92: {  	v8 =	vmul.f32 v10, v10;
	v9 =	vmul.f32 v11, v11;
	v16 =	vadd.f32 v4, v1;
	v4 =	vld [tilespmem:s0+$0x4000]  }
0x93: {  	v20 =	vadd.f32 v5, v0  }
0x94: {  	v5 =	vadd.f32 v9, v8;
	v8 =	vmul.f32 v16, v16;
	v9 =	vld [tilespmem:s0+$0x4080]  }
0x95: {  	s20 =	simm.s32 $0x40;
	s21 =	simm.s32 $0x80;
	v12 =	vmul.f32 v20, v20;
	v6 =	vmul.f32 v6, v2  }
0x96: {  	s1 =	sand.u32 $0x60, s20;
	s24 =	sand.u32 $0x3F00, s21;
	v7 =	vmul.f32 v7, v3;
	v5 =	vmul.f32 $-5.000000000e-01, v5  }
0x97: {  	s8 =	simm.s32 $0x50;
	s3 =	sor.u32 s1, s24;
	v8 =	vadd.f32 v12, v8;
	v4 =	vmul.f32 v4, v2  }
0x98: {  	s9 =	sand.u32 $0x70, s8;
	v19 =	vadd.f32 v6, v1;
	v17 =	vadd.f32 v7, v0;
	v6 =	vld [tilespmem:s3+$0x4000];
	v12 =	vmul.f32 $1.442695020e+00, v5  }
0x99: {  	s1 =	sor.u32 s24, s9;
	v7 =	vmul.f32 $-5.000000000e-01, v8;
	v8 =	vld [tilespmem:s3+$0x4080];
	v5 =	vmul.f32 v9, v3  }
0x9a: {  	v14 =	vld [tilespmem:s1+$0x4000];
	v9 =	vmul.f32 v19, v19;
	v13 =	vmul.f32 v17, v17;
	v4 =	vadd.f32 v4, v1  }
0x9b: {  	(erf) = vpow2.f32 v12;
	v5 =	vadd.f32 v5, v0  }
0x9c: {  	v12 =	vld [tilespmem:s1+$0x4080];
	v7 =	vmul.f32 $1.442695020e+00, v7;
	v9 =	vadd.f32 v13, v9;
	v13 =	vmul.f32 v4, v4  }
0x9d: {  	s19 =	simm.s32 $0x60;
	v6 =	vmul.f32 v6, v2;
	v15 =	vmul.f32 v5, v5  }
0x9e: {  	s20 =	simm.s32 $0xC0;
	s8 =	simm.s32 $0x12010;
	s9 =	simm.s32 $0x70;
	v9 =	vmul.f32 $-5.000000000e-01, v9;
	v8 =	vmul.f32 v8, v3  }
0x9f: {  	s4 =	sand.u32 $0x60, s19;
	s7 =	sand.u32 $0x3F00, s20;
	s21 =	sand.u32 $0x70, s9;
	v14 =	vmul.f32 v14, v2;
	(erf) = vpow2.f32 v7;
	v7 =	vadd.f32 v6, v1  }
0xa0: {  	s19 =	sor.u32 s4, s7;
	s4 =	sor.u32 s7, s21;
	v18 =	vld [tilespmem:s8+$0xFFFFFFF0];
	v13 =	vadd.f32 v15, v13;
	v15 =	vmul.f32 $1.442695020e+00, v9;
	v9 =	vadd.f32 v8, v0  }
0xa1: {  	v6 =	vadd.f32 v14, v1;
	v14 =	vld [tilespmem:s4+$0x4000];
	v8 =	vmul.f32 v12, v3  }
0xa2: {  	v12 =	vld [tilespmem:s19+$0x4000];
	v21 =	vmul.f32 v7, v7;
	v22 =	vmul.f32 v9, v9  }
0xa3: {  	v13 =	vmul.f32 $-5.000000000e-01, v13;
	(erf) = vpow2.f32 v15;
	v15 =	vld [tilespmem:s19+$0x4080]  }
0xa4: {  	v8 =	vadd.f32 v8, v0;
	v24 =	vpop (erf);
	v21 =	vadd.f32 v22, v21  }
0xa5: {  	v23 =	vld [tilespmem:s8+$0x0];
	v13 =	vmul.f32 $1.442695020e+00, v13;
	vm13 =	vgt.f32 v24, v18;
	v18 =	vmul.f32 v6, v6  }
0xa6: {  	v22 =	vld [tilespmem:s4+$0x4080];
	v24 =	vmul.f32 v8, v8;
	v25 =	vnsel vm13, $0x0, v11;
	v11 =	vmul.f32 $-5.000000000e-01, v21  }
0xa7: {  	s24 =	simm.s32 $0x12030;
	(erf) = vpow2.f32 v13;
	v26 =	vnsel vm13, $0x0, v10;
	v10 =	vmul.f32 v12, v2  }
0xa8: {  	v21 =	vld [tilespmem:s24+$0xFFFFFFF0];
	v12 =	vmul.f32 v15, v3;
	v15 =	vadd.f32 v24, v18;
	v18 =	vmul.f32 v14, v2  }
0xa9: {  	s20 =	simm.s32 $0x80;
	s21 =	simm.s32 $0x100;
	v13 =	vpop (erf)  }
0xaa: {  	s9 =	sand.u32 $0x3F00, s21;
	s8 =	sand.u32 $0x60, s20;
	v24 =	vmul.f32 $1.442695020e+00, v11;
	v10 =	vadd.f32 v10, v1;
	vm14 =	vgt.f32 v13, v23  }
0xab: {  	s20 =	sor.u32 s8, s9;
	v14 =	vld [tilespmem:s24+$0x0];
	s24 =	simm.s32 $0x90;
	v13 =	vadd.f32 v12, v0;
	v12 =	vmul.f32 v22, v3;
	v22 =	vmul.f32 $-5.000000000e-01, v15  }
0xac: {  	[tilespmem:s5+$0xC080] =	vst v25;
	s7 =	sand.u32 $0x70, s24;
	v11 =	vadd.f32 v18, v1;
	v15 =	vld [tilespmem:s20+$0x4000];
	v23 =	vmul.f32 v10, v10;
	(erf) = vpow2.f32 v24;
	v18 =	vpop (erf)  }
0xad: {  	[tilespmem:s5+$0xC000] =	vst v26;
	s5 =	sor.u32 s9, s7;
	v25 =	vmul.f32 v13, v13;
	v22 =	vmul.f32 $1.442695020e+00, v22;
	vm15 =	vgt.f32 v18, v21;
	v18 =	vld [tilespmem:s20+$0x4080]  }
0xae: {  	v12 =	vadd.f32 v12, v0;
	v21 =	vnsel vm15, $0x0, v17;
	v17 =	vld [tilespmem:s5+$0x4000]  }
0xaf: {  	v24 =	vadd.f32 v25, v23;
	v25 =	vnsel vm15, $0x0, v19;
	v19 =	vld [tilespmem:s5+$0x4080];
	[tilespmem:s6+$0xC080] =	vst v21  }
0xb0: {  	v23 =	vmul.f32 v12, v12;
	v21 =	vmul.f32 v11, v11;
	[tilespmem:s6+$0xC000] =	vst v25;
	s6 =	simm.s32 $0x12050;
	v25 =	vnsel vm14, $0x0, v16  }
0xb1: {  	s8 =	simm.s32 $0xB0;
	s7 =	simm.s32 $0x8;
	v20 =	vnsel vm14, $0x0, v20;
	(erf) = vpow2.f32 v22;
	v24 =	vmul.f32 $-5.000000000e-01, v24;
	v16 =	vld [tilespmem:s6+$0xFFFFFFF0];
	v22 =	vpop (erf);
	[tilespmem:s17+$0xC000] =	vst v25  }
.LBB2_4:
0xb2: {  	s9 =	sadd.s32 $0xFFFFFFF0, s8;
	s24 =	sand.u32 $0x70, s8;
	v15 =	vmul.f32 v15, v2;
	v18 =	vmul.f32 v18, v3;
	s21 =	sadd.s32 $0x40, s21;
	v21 =	vadd.f32 v23, v21;
	v23 =	vld [tilespmem:s6+$0x0];
	[tilespmem:s17+$0xC080] =	vst v20  }
0xb3: {  	s7 =	sadd.s32 $0x2, s7;
	vm0 =	vgt.f32 v22, v14;
	v25 =	vmovc v11;
	v22 =	vmovc v5;
	s9 =	sand.u32 $0x60, s9;
	s17 =	sand.u32 $0x3F00, s21;
	v17 =	vmul.f32 v17, v2;
	v20 =	vmul.f32 $1.442695020e+00, v24  }
0xb4: {  	v5 =	vmovc v8;
	p0 =	slt.u32 s7, $0x1FE;
	s9 =	sor.u32 s9, s17;
	s24 =	sor.u32 s17, s24;
	v24 =	vadd.f32 v15, v1;
	v26 =	vadd.f32 v18, v0;
	v19 =	vmul.f32 v19, v3  }
0xb5: {  	v27 =	vmul.f32 $-5.000000000e-01, v21;
	s17 =	smov.u32 s0;
	s0 =	smov.u32 s1;
	s1 =	smov.u32 s4;
	v15 =	vld [tilespmem:s9+$0x4000];
	v11 =	vadd.f32 v17, v1;
	(erf) = vpow2.f32 v20;
	v8 =	vpop (erf)  }
.Ltmp1:
0xb6: {  	s4 =	smov.u32 s5;
	s5 =	smov.u32 s24;
	v18 =	vld [tilespmem:s9+$0x4080];
	v20 =	vmul.f32 v24, v24;
	v28 =	vmul.f32 v26, v26;
	vm1 =	vgt.f32 v8, v16;
	v8 =	vmovc v12;
	(pc) =	sbr.rel @p0 .LBB2_4-.Ltmp1, $4  }
0xb7: {  	v12 =	vadd.f32 v19, v0;
	v17 =	vld [tilespmem:s5+$0x4000];
	v21 =	vmul.f32 v11, v11;
	v16 =	vnsel vm1, $0x0, v9;
	v14 =	vmovc v23;
	v9 =	vmovc v13  }
0xb8: {  	v27 =	vmul.f32 $1.442695020e+00, v27;
	v30 =	vnsel vm1, $0x0, v7;
	v7 =	vmovc v10;
	v10 =	vmovc v24;
	v19 =	vld [tilespmem:s5+$0x4080];
	v28 =	vadd.f32 v28, v20;
	[tilespmem:s3+$0xC080] =	vst v16  }
0xb9: {  	s6 =	sadd.s32 $0x20, s6;
	v29 =	vnsel vm0, $0x0, v4;
	v4 =	vmovc v6;
	v13 =	vmovc v26;
	v23 =	vmul.f32 v12, v12;
	v20 =	vnsel vm0, $0x0, v22;
	[tilespmem:s3+$0xC000] =	vst v30;
	s3 =	smov.u32 s19;
	s19 =	smov.u32 s20  }
0xba: {  	s8 =	sadd.s32 $0x20, s8;
	v6 =	vmov v25;
	s20 =	smov.u32 s9;
	v24 =	vmul.f32 $-5.000000000e-01, v28;
	v16 =	vld [tilespmem:s6+$0xFFFFFFF0];
	(erf) = vpow2.f32 v27;
	v22 =	vpop (erf);
	[tilespmem:s17+$0xC000] =	vst v29  }
0xbb: {  	v15 =	vmul.f32 v15, v2;
	v18 =	vmul.f32 v18, v3;
	_ =	sdelay $0x1  }
0xbc: {  	v15 =	vadd.f32 v15, v1;
	v18 =	vadd.f32 v18, v0;
	_ =	sdelay $0x1  }
0xbd: {  	v21 =	vadd.f32 v23, v21;
	v23 =	vmul.f32 v15, v15;
	v25 =	vmul.f32 v18, v18;
	_ =	sdelay $0x1  }
0xbe: {  	v23 =	vadd.f32 v25, v23  }
0xbf: {  	v17 =	vmul.f32 v17, v2  }
0xc0: {  	v19 =	vmul.f32 v19, v3;
	v23 =	vmul.f32 $-5.000000000e-01, v23  }
0xc1: {  	v24 =	vmul.f32 $1.442695020e+00, v24;
	v21 =	vmul.f32 $-5.000000000e-01, v21  }
0xc2: {  	v17 =	vadd.f32 v17, v1;
	v19 =	vadd.f32 v19, v0;
	v23 =	vmul.f32 $1.442695020e+00, v23  }
0xc3: {  	(erf) = vpow2.f32 v24;
	v21 =	vmul.f32 $1.442695020e+00, v21  }
0xc4: {  	v24 =	vmul.f32 v17, v17;
	v25 =	vmul.f32 v19, v19  }
0xc5: {  	(erf) = vpow2.f32 v21  }
0xc6: {  	v24 =	vadd.f32 v25, v24;
	(erf) = vpow2.f32 v23;
	v23 =	vpop (erf)  }
0xc7: {  	s7 =	sadd.s32 $0x20, s6;
	vm0 =	vgt.f32 v23, v16  }
0xc8: {  	v21 =	vmul.f32 $-5.000000000e-01, v24;
	v24 =	vld [tilespmem:s7+$0xFFFFFFF0];
	v9 =	vnsel vm0, $0x0, v9;
	_ =	sdelay $0x2  }
0xc9: {  	vm1 =	vgt.f32 v22, v14;
	v16 =	vmul.f32 $1.442695020e+00, v21;
	[tilespmem:s3+$0xC080] =	vst v9;
	v9 =	vpop (erf)  }
0xca: {  	[tilespmem:s17+$0xC080] =	vst v20;
	v5 =	vnsel vm1, $0x0, v5;
	v21 =	vld [tilespmem:s6+$0x0];
	v14 =	vpop (erf)  }
0xcb: {  	s17 =	sadd.s32 $0x20, s7;
	[tilespmem:s0+$0xC080] =	vst v5;
	v7 =	vnsel vm0, $0x0, v7;
	(erf) = vpow2.f32 v16;
	vm8 =	vgt.f32 v14, v24  }
0xcc: {  	[tilespmem:s3+$0xC000] =	vst v7;
	v7 =	vld [tilespmem:s17+$0xFFFFFFF0];
	v5 =	vnsel vm8, $0x0, v13  }
0xcd: {  	v4 =	vnsel vm1, $0x0, v4  }
0xce: {  	[tilespmem:s0+$0xC000] =	vst v4;
	v4 =	vld [tilespmem:s7+$0x0]  }
0xcf: {  	vm9 =	vgt.f32 v9, v21;
	v9 =	vnsel vm8, $0x0, v10;
	[tilespmem:s19+$0xC080] =	vst v5;
	v5 =	vpop (erf)  }
0xd0: {  	v6 =	vnsel vm9, $0x0, v6;
	[tilespmem:s19+$0xC000] =	vst v9;
	v9 =	vld [tilespmem:s17+$0x0];
	v10 =	vpop (erf)  }
0xd1: {  	v8 =	vnsel vm9, $0x0, v8;
	[tilespmem:s1+$0xC000] =	vst v6;
	vm10 =	vgt.f32 v10, v7  }
0xd2: {  	[tilespmem:s1+$0xC080] =	vst v8;
	v6 =	vnsel vm10, $0x0, v18  }
0xd3: {  	vm11 =	vgt.f32 v5, v4;
	v4 =	vnsel vm10, $0x0, v15;
	[tilespmem:s20+$0xC080] =	vst v6  }
0xd4: {  	v5 =	vpop (erf);
	[tilespmem:s20+$0xC000] =	vst v4;
	v4 =	vnsel vm11, $0x0, v11  }
0xd5: {  	v6 =	vnsel vm11, $0x0, v12;
	vm12 =	vgt.f32 v5, v9;
	[tilespmem:s4+$0xC000] =	vst v4  }
0xd6: {  	[tilespmem:s4+$0xC080] =	vst v6;
	v4 =	vnsel vm12, $0x0, v17  }
0xd7: {  	v5 =	vnsel vm12, $0x0, v19;
	[tilespmem:s5+$0xC000] =	vst v4  }
0xd8: {  	s21 =	simm.s32 $0x0;
	s24 =	simm.s32 $0xC000;
	[tilespmem:s5+$0xC080] =	vst v5  }
0xd9: {  	[hbm4b:s11+s21] =	stream.linear.scatter [tilespmem:s24], [sflag:$0x6], $0x4000, $0x38;
	[tilespmem:$0x14040] =	vst v63  }
0xda: {  	s3 =	simm.s32 $0x4000  }
0xdb: {  	[tilespmem:s3], [sflag:$0x2] =	stream.linear.gather [hbm4b:s12+s21], $0x4000, $0x38;
	[tilespmem:$0x14040] =	vst v63  }
0xdc: {  	s4 =	simm.s32 $0x12000  }
0xdd: {  	[tilespmem:s4], [sflag:$0x4] =	stream.linear.gather [hbm4b:s13+s21], $0x2000, $0x38;
	[tilespmem:$0x14040] =	vst v63  }
0xde: {  	_ =	swait.ge [sflag:s22], $0x4000  }
0xdf: {  	[sflag:s22] =	ssyncset.done $0x0  }
0xe0: {  	[sflag:s22] =	ssyncadd.s32 $0xFFFFC000  }
0xe1: {  	_ =	swait.ge [sflag:s23], $0x2000  }
0xe2: {  	[sflag:s23] =	ssyncset.done $0x0  }
0xe3: {  	[sflag:s23] =	ssyncadd.s32 $0xFFFFE000  }
0xe4: {  	s5 =	simm.s32 $0x0;
	_ =	swait.ge [sflag:s29], $0x4000  }
0xe5: {  	s0 =	sand.u32 $0x3F00, s21;
	s1 =	sand.u32 $0x60, s5;
	[sflag:s29] =	ssyncset.done $0x0  }
0xe6: {  	s5 =	sor.u32 s1, s0;
	[sflag:s29] =	ssyncadd.s32 $0xFFFFC000  }
0xe7: {  	s6 =	simm.s32 $0x10;
	v4 =	vld [tilespmem:s5+$0x0]  }
0xe8: {  	s1 =	sand.u32 $0x70, s6;
	v5 =	vld [tilespmem:s5+$0x80]  }
0xe9: {  	s17 =	sor.u32 s0, s1  }
0xea: {  	v6 =	vld [tilespmem:s17+$0x0]  }
0xeb: {  	v7 =	vld [tilespmem:s17+$0x80]  }
0xec: {  	s8 =	simm.s32 $0x40;
	s7 =	simm.s32 $0x20  }
0xed: {  	s0 =	sand.u32 $0x60, s7;
	s1 =	sand.u32 $0x3F00, s8;
	v4 =	vmul.f32 v4, v2;
	v5 =	vmul.f32 v5, v3  }
0xee: {  	s9 =	simm.s32 $0x30;
	s6 =	sor.u32 s0, s1  }
0xef: {  	s19 =	sand.u32 $0x70, s9;
	v10 =	vadd.f32 v4, v1;
	v11 =	vadd.f32 v5, v0;
	v4 =	vmul.f32 v6, v2;
	v6 =	vld [tilespmem:s6+$0x0]  }
0xf0: {  	s0 =	sor.u32 s1, s19;
	v5 =	vmul.f32 v7, v3;
	v7 =	vld [tilespmem:s6+$0x80]  }
0xf1: {  	v8 =	vmul.f32 v10, v10;
	v9 =	vmul.f32 v11, v11;
	v16 =	vadd.f32 v4, v1;
	v4 =	vld [tilespmem:s0+$0x0]  }
0xf2: {  	v20 =	vadd.f32 v5, v0  }
0xf3: {  	v5 =	vadd.f32 v9, v8;
	v8 =	vmul.f32 v16, v16;
	v9 =	vld [tilespmem:s0+$0x80]  }
0xf4: {  	s20 =	simm.s32 $0x40;
	s21 =	simm.s32 $0x80;
	v12 =	vmul.f32 v20, v20;
	v6 =	vmul.f32 v6, v2  }
0xf5: {  	s1 =	sand.u32 $0x60, s20;
	s24 =	sand.u32 $0x3F00, s21;
	v7 =	vmul.f32 v7, v3;
	v5 =	vmul.f32 $-5.000000000e-01, v5  }
0xf6: {  	s8 =	simm.s32 $0x50;
	s3 =	sor.u32 s1, s24;
	v8 =	vadd.f32 v12, v8;
	v4 =	vmul.f32 v4, v2  }
0xf7: {  	s9 =	sand.u32 $0x70, s8;
	v19 =	vadd.f32 v6, v1;
	v17 =	vadd.f32 v7, v0;
	v6 =	vld [tilespmem:s3+$0x0];
	v12 =	vmul.f32 $1.442695020e+00, v5  }
0xf8: {  	s1 =	sor.u32 s24, s9;
	v7 =	vmul.f32 $-5.000000000e-01, v8;
	v8 =	vld [tilespmem:s3+$0x80];
	v5 =	vmul.f32 v9, v3  }
0xf9: {  	v14 =	vld [tilespmem:s1+$0x0];
	v9 =	vmul.f32 v19, v19;
	v13 =	vmul.f32 v17, v17;
	v4 =	vadd.f32 v4, v1  }
0xfa: {  	(erf) = vpow2.f32 v12;
	v5 =	vadd.f32 v5, v0  }
0xfb: {  	v12 =	vld [tilespmem:s1+$0x80];
	v7 =	vmul.f32 $1.442695020e+00, v7;
	v9 =	vadd.f32 v13, v9;
	v13 =	vmul.f32 v4, v4  }
0xfc: {  	s19 =	simm.s32 $0x60;
	v6 =	vmul.f32 v6, v2;
	v15 =	vmul.f32 v5, v5  }
0xfd: {  	s20 =	simm.s32 $0xC0;
	s8 =	simm.s32 $0x10010;
	s9 =	simm.s32 $0x70;
	v9 =	vmul.f32 $-5.000000000e-01, v9;
	v8 =	vmul.f32 v8, v3  }
0xfe: {  	s4 =	sand.u32 $0x60, s19;
	s7 =	sand.u32 $0x3F00, s20;
	s21 =	sand.u32 $0x70, s9;
	v14 =	vmul.f32 v14, v2;
	(erf) = vpow2.f32 v7;
	v7 =	vadd.f32 v6, v1  }
0xff: {  	s19 =	sor.u32 s4, s7;
	s4 =	sor.u32 s7, s21;
	v18 =	vld [tilespmem:s8+$0xFFFFFFF0];
	v13 =	vadd.f32 v15, v13;
	v15 =	vmul.f32 $1.442695020e+00, v9;
	v9 =	vadd.f32 v8, v0  }
0x100: {  	v6 =	vadd.f32 v14, v1;
	v14 =	vld [tilespmem:s4+$0x0];
	v8 =	vmul.f32 v12, v3  }
0x101: {  	v12 =	vld [tilespmem:s19+$0x0];
	v21 =	vmul.f32 v7, v7;
	v22 =	vmul.f32 v9, v9  }
0x102: {  	v13 =	vmul.f32 $-5.000000000e-01, v13;
	(erf) = vpow2.f32 v15;
	v15 =	vld [tilespmem:s19+$0x80]  }
0x103: {  	v8 =	vadd.f32 v8, v0;
	v24 =	vpop (erf);
	v21 =	vadd.f32 v22, v21  }
0x104: {  	v23 =	vld [tilespmem:s8+$0x0];
	v13 =	vmul.f32 $1.442695020e+00, v13;
	vm13 =	vgt.f32 v24, v18;
	v18 =	vmul.f32 v6, v6  }
0x105: {  	v22 =	vld [tilespmem:s4+$0x80];
	v24 =	vmul.f32 v8, v8;
	v25 =	vnsel vm13, $0x0, v11;
	v11 =	vmul.f32 $-5.000000000e-01, v21  }
0x106: {  	s24 =	simm.s32 $0x10030;
	(erf) = vpow2.f32 v13;
	v26 =	vnsel vm13, $0x0, v10;
	v10 =	vmul.f32 v12, v2  }
0x107: {  	v21 =	vld [tilespmem:s24+$0xFFFFFFF0];
	v12 =	vmul.f32 v15, v3;
	v15 =	vadd.f32 v24, v18;
	v18 =	vmul.f32 v14, v2  }
0x108: {  	s20 =	simm.s32 $0x80;
	s21 =	simm.s32 $0x100;
	v13 =	vpop (erf)  }
0x109: {  	s9 =	sand.u32 $0x3F00, s21;
	s8 =	sand.u32 $0x60, s20;
	v24 =	vmul.f32 $1.442695020e+00, v11;
	v10 =	vadd.f32 v10, v1;
	vm14 =	vgt.f32 v13, v23  }
0x10a: {  	s20 =	sor.u32 s8, s9;
	v14 =	vld [tilespmem:s24+$0x0];
	s24 =	simm.s32 $0x90;
	v13 =	vadd.f32 v12, v0;
	v12 =	vmul.f32 v22, v3;
	v22 =	vmul.f32 $-5.000000000e-01, v15  }
0x10b: {  	[tilespmem:s5+$0x8080] =	vst v25;
	s7 =	sand.u32 $0x70, s24;
	v11 =	vadd.f32 v18, v1;
	v15 =	vld [tilespmem:s20+$0x0];
	v23 =	vmul.f32 v10, v10;
	(erf) = vpow2.f32 v24;
	v18 =	vpop (erf)  }
0x10c: {  	[tilespmem:s5+$0x8000] =	vst v26;
	s5 =	sor.u32 s9, s7;
	v25 =	vmul.f32 v13, v13;
	v22 =	vmul.f32 $1.442695020e+00, v22;
	vm15 =	vgt.f32 v18, v21;
	v18 =	vld [tilespmem:s20+$0x80]  }
0x10d: {  	v12 =	vadd.f32 v12, v0;
	v21 =	vnsel vm15, $0x0, v17;
	v17 =	vld [tilespmem:s5+$0x0]  }
0x10e: {  	v24 =	vadd.f32 v25, v23;
	v25 =	vnsel vm15, $0x0, v19;
	v19 =	vld [tilespmem:s5+$0x80];
	[tilespmem:s6+$0x8080] =	vst v21  }
0x10f: {  	v23 =	vmul.f32 v12, v12;
	v21 =	vmul.f32 v11, v11;
	[tilespmem:s6+$0x8000] =	vst v25;
	s6 =	simm.s32 $0x10050;
	v25 =	vnsel vm14, $0x0, v16  }
0x110: {  	s8 =	simm.s32 $0xB0;
	s7 =	simm.s32 $0x8;
	v20 =	vnsel vm14, $0x0, v20;
	(erf) = vpow2.f32 v22;
	v24 =	vmul.f32 $-5.000000000e-01, v24;
	v16 =	vld [tilespmem:s6+$0xFFFFFFF0];
	v22 =	vpop (erf);
	[tilespmem:s17+$0x8000] =	vst v25  }
.LBB2_6:
0x111: {  	s9 =	sadd.s32 $0xFFFFFFF0, s8;
	s24 =	sand.u32 $0x70, s8;
	v15 =	vmul.f32 v15, v2;
	v18 =	vmul.f32 v18, v3;
	s21 =	sadd.s32 $0x40, s21;
	v21 =	vadd.f32 v23, v21;
	v23 =	vld [tilespmem:s6+$0x0];
	[tilespmem:s17+$0x8080] =	vst v20  }
0x112: {  	s7 =	sadd.s32 $0x2, s7;
	vm0 =	vgt.f32 v22, v14;
	v25 =	vmovc v11;
	v22 =	vmovc v5;
	s9 =	sand.u32 $0x60, s9;
	s17 =	sand.u32 $0x3F00, s21;
	v17 =	vmul.f32 v17, v2;
	v20 =	vmul.f32 $1.442695020e+00, v24  }
0x113: {  	v5 =	vmovc v8;
	p0 =	slt.u32 s7, $0x1FE;
	s9 =	sor.u32 s9, s17;
	s24 =	sor.u32 s17, s24;
	v24 =	vadd.f32 v15, v1;
	v26 =	vadd.f32 v18, v0;
	v19 =	vmul.f32 v19, v3  }
0x114: {  	v27 =	vmul.f32 $-5.000000000e-01, v21;
	s17 =	smov.u32 s0;
	s0 =	smov.u32 s1;
	s1 =	smov.u32 s4;
	v15 =	vld [tilespmem:s9+$0x0];
	v11 =	vadd.f32 v17, v1;
	(erf) = vpow2.f32 v20;
	v8 =	vpop (erf)  }
.Ltmp2:
0x115: {  	s4 =	smov.u32 s5;
	s5 =	smov.u32 s24;
	v18 =	vld [tilespmem:s9+$0x80];
	v20 =	vmul.f32 v24, v24;
	v28 =	vmul.f32 v26, v26;
	vm1 =	vgt.f32 v8, v16;
	v8 =	vmovc v12;
	(pc) =	sbr.rel @p0 .LBB2_6-.Ltmp2, $4  }
0x116: {  	v12 =	vadd.f32 v19, v0;
	v17 =	vld [tilespmem:s5+$0x0];
	v21 =	vmul.f32 v11, v11;
	v16 =	vnsel vm1, $0x0, v9;
	v14 =	vmovc v23;
	v9 =	vmovc v13  }
0x117: {  	v27 =	vmul.f32 $1.442695020e+00, v27;
	v30 =	vnsel vm1, $0x0, v7;
	v7 =	vmovc v10;
	v10 =	vmovc v24;
	v19 =	vld [tilespmem:s5+$0x80];
	v28 =	vadd.f32 v28, v20;
	[tilespmem:s3+$0x8080] =	vst v16  }
0x118: {  	s6 =	sadd.s32 $0x20, s6;
	v29 =	vnsel vm0, $0x0, v4;
	v4 =	vmovc v6;
	v13 =	vmovc v26;
	v23 =	vmul.f32 v12, v12;
	v20 =	vnsel vm0, $0x0, v22;
	[tilespmem:s3+$0x8000] =	vst v30;
	s3 =	smov.u32 s19;
	s19 =	smov.u32 s20  }
0x119: {  	s8 =	sadd.s32 $0x20, s8;
	v6 =	vmov v25;
	s20 =	smov.u32 s9;
	v24 =	vmul.f32 $-5.000000000e-01, v28;
	v16 =	vld [tilespmem:s6+$0xFFFFFFF0];
	(erf) = vpow2.f32 v27;
	v22 =	vpop (erf);
	[tilespmem:s17+$0x8000] =	vst v29  }
0x11a: {  	v15 =	vmul.f32 v15, v2;
	v18 =	vmul.f32 v18, v3;
	_ =	sdelay $0x1  }
0x11b: {  	v15 =	vadd.f32 v15, v1;
	v18 =	vadd.f32 v18, v0;
	_ =	sdelay $0x1  }
0x11c: {  	v21 =	vadd.f32 v23, v21;
	v23 =	vmul.f32 v15, v15;
	v25 =	vmul.f32 v18, v18;
	_ =	sdelay $0x1  }
0x11d: {  	v23 =	vadd.f32 v25, v23  }
0x11e: {  	v17 =	vmul.f32 v17, v2  }
0x11f: {  	v19 =	vmul.f32 v19, v3;
	v23 =	vmul.f32 $-5.000000000e-01, v23  }
0x120: {  	v24 =	vmul.f32 $1.442695020e+00, v24;
	v21 =	vmul.f32 $-5.000000000e-01, v21  }
0x121: {  	v17 =	vadd.f32 v17, v1;
	v19 =	vadd.f32 v19, v0;
	v23 =	vmul.f32 $1.442695020e+00, v23  }
0x122: {  	(erf) = vpow2.f32 v24;
	v21 =	vmul.f32 $1.442695020e+00, v21  }
0x123: {  	v24 =	vmul.f32 v17, v17;
	v25 =	vmul.f32 v19, v19  }
0x124: {  	(erf) = vpow2.f32 v21  }
0x125: {  	v24 =	vadd.f32 v25, v24;
	(erf) = vpow2.f32 v23;
	v23 =	vpop (erf)  }
0x126: {  	s7 =	sadd.s32 $0x20, s6;
	vm0 =	vgt.f32 v23, v16  }
0x127: {  	v21 =	vmul.f32 $-5.000000000e-01, v24;
	v24 =	vld [tilespmem:s7+$0xFFFFFFF0];
	v9 =	vnsel vm0, $0x0, v9;
	_ =	sdelay $0x2  }
0x128: {  	vm1 =	vgt.f32 v22, v14;
	v16 =	vmul.f32 $1.442695020e+00, v21;
	[tilespmem:s3+$0x8080] =	vst v9;
	v9 =	vpop (erf)  }
0x129: {  	v5 =	vnsel vm1, $0x0, v5;
	v21 =	vld [tilespmem:s6+$0x0];
	v14 =	vpop (erf)  }
0x12a: {  	s24 =	sadd.s32 $0x20, s7;
	[tilespmem:s0+$0x8080] =	vst v5;
	v7 =	vnsel vm0, $0x0, v7;
	(erf) = vpow2.f32 v16;
	vm8 =	vgt.f32 v14, v24  }
0x12b: {  	[tilespmem:s3+$0x8000] =	vst v7;
	v7 =	vld [tilespmem:s24+$0xFFFFFFF0];
	v5 =	vnsel vm8, $0x0, v13  }
0x12c: {  	[tilespmem:s17+$0x8080] =	vst v20;
	v4 =	vnsel vm1, $0x0, v4  }
0x12d: {  	[tilespmem:s0+$0x8000] =	vst v4;
	v4 =	vld [tilespmem:s7+$0x0]  }
0x12e: {  	vm9 =	vgt.f32 v9, v21;
	v9 =	vnsel vm8, $0x0, v10;
	[tilespmem:s19+$0x8080] =	vst v5;
	v5 =	vpop (erf)  }
0x12f: {  	v6 =	vnsel vm9, $0x0, v6;
	[tilespmem:s19+$0x8000] =	vst v9;
	v9 =	vld [tilespmem:s24+$0x0];
	v10 =	vpop (erf)  }
0x130: {  	v8 =	vnsel vm9, $0x0, v8;
	[tilespmem:s1+$0x8000] =	vst v6;
	vm10 =	vgt.f32 v10, v7  }
0x131: {  	[tilespmem:s1+$0x8080] =	vst v8;
	v6 =	vnsel vm10, $0x0, v18  }
0x132: {  	vm11 =	vgt.f32 v5, v4;
	v4 =	vnsel vm10, $0x0, v15;
	[tilespmem:s20+$0x8080] =	vst v6  }
0x133: {  	v5 =	vpop (erf);
	[tilespmem:s20+$0x8000] =	vst v4;
	v4 =	vnsel vm11, $0x0, v11  }
0x134: {  	v6 =	vnsel vm11, $0x0, v12;
	vm12 =	vgt.f32 v5, v9;
	[tilespmem:s4+$0x8000] =	vst v4  }
0x135: {  	[tilespmem:s4+$0x8080] =	vst v6;
	v4 =	vnsel vm12, $0x0, v17  }
0x136: {  	v5 =	vnsel vm12, $0x0, v19;
	[tilespmem:s5+$0x8000] =	vst v4  }
0x137: {  	s3 =	simm.s32 $0x0;
	s4 =	simm.s32 $0x8000;
	[tilespmem:s5+$0x8080] =	vst v5  }
0x138: {  	[hbm4b:s14+s3] =	stream.linear.scatter [tilespmem:s4], [sflag:$0x5], $0x4000, $0x38;
	[tilespmem:$0x14040] =	vst v63  }
0x139: {  	_ =	swait.ge [sflag:s25], $0x4000  }
0x13a: {  	[sflag:s25] =	ssyncset.done $0x0  }
0x13b: {  	[sflag:s25] =	ssyncadd.s32 $0xFFFFC000  }
0x13c: {  	_ =	swait.ge [sflag:s26], $0x2000  }
0x13d: {  	[sflag:s26] =	ssyncset.done $0x0  }
0x13e: {  	[sflag:s26] =	ssyncadd.s32 $0xFFFFE000  }
0x13f: {  	s5 =	simm.s32 $0x0;
	_ =	swait.ge [sflag:s30], $0x4000  }
0x140: {  	s0 =	sand.u32 $0x3F00, s3;
	s1 =	sand.u32 $0x60, s5;
	[sflag:s30] =	ssyncset.done $0x0  }
0x141: {  	s5 =	sor.u32 s1, s0;
	[sflag:s30] =	ssyncadd.s32 $0xFFFFC000  }
0x142: {  	s6 =	simm.s32 $0x10;
	v4 =	vld [tilespmem:s5+$0x4000]  }
0x143: {  	s1 =	sand.u32 $0x70, s6;
	v5 =	vld [tilespmem:s5+$0x4080]  }
0x144: {  	s17 =	sor.u32 s0, s1  }
0x145: {  	v6 =	vld [tilespmem:s17+$0x4000]  }
0x146: {  	v7 =	vld [tilespmem:s17+$0x4080]  }
0x147: {  	s8 =	simm.s32 $0x40;
	s7 =	simm.s32 $0x20  }
0x148: {  	s0 =	sand.u32 $0x60, s7;
	s1 =	sand.u32 $0x3F00, s8;
	v4 =	vmul.f32 v4, v2;
	v5 =	vmul.f32 v5, v3  }
0x149: {  	s9 =	simm.s32 $0x30;
	s6 =	sor.u32 s0, s1  }
0x14a: {  	s19 =	sand.u32 $0x70, s9;
	v10 =	vadd.f32 v4, v1;
	v11 =	vadd.f32 v5, v0;
	v4 =	vmul.f32 v6, v2;
	v6 =	vld [tilespmem:s6+$0x4000]  }
0x14b: {  	s0 =	sor.u32 s1, s19;
	v5 =	vmul.f32 v7, v3;
	v7 =	vld [tilespmem:s6+$0x4080]  }
0x14c: {  	v8 =	vmul.f32 v10, v10;
	v9 =	vmul.f32 v11, v11;
	v16 =	vadd.f32 v4, v1;
	v4 =	vld [tilespmem:s0+$0x4000]  }
0x14d: {  	v20 =	vadd.f32 v5, v0  }
0x14e: {  	v5 =	vadd.f32 v9, v8;
	v8 =	vmul.f32 v16, v16;
	v9 =	vld [tilespmem:s0+$0x4080]  }
0x14f: {  	s21 =	simm.s32 $0x80;
	s20 =	simm.s32 $0x40;
	v12 =	vmul.f32 v20, v20;
	v6 =	vmul.f32 v6, v2  }
0x150: {  	s24 =	sand.u32 $0x3F00, s21;
	s1 =	sand.u32 $0x60, s20;
	v7 =	vmul.f32 v7, v3;
	v5 =	vmul.f32 $-5.000000000e-01, v5  }
0x151: {  	s8 =	simm.s32 $0x50;
	s3 =	sor.u32 s1, s24;
	v8 =	vadd.f32 v12, v8;
	v4 =	vmul.f32 v4, v2  }
0x152: {  	s9 =	sand.u32 $0x70, s8;
	v19 =	vadd.f32 v6, v1;
	v17 =	vadd.f32 v7, v0;
	v6 =	vld [tilespmem:s3+$0x4000];
	v12 =	vmul.f32 $1.442695020e+00, v5  }
0x153: {  	s1 =	sor.u32 s24, s9;
	v7 =	vmul.f32 $-5.000000000e-01, v8;
	v8 =	vld [tilespmem:s3+$0x4080];
	v5 =	vmul.f32 v9, v3  }
0x154: {  	v14 =	vld [tilespmem:s1+$0x4000];
	v9 =	vmul.f32 v19, v19;
	v13 =	vmul.f32 v17, v17;
	v4 =	vadd.f32 v4, v1  }
0x155: {  	(erf) = vpow2.f32 v12;
	v5 =	vadd.f32 v5, v0  }
0x156: {  	v12 =	vld [tilespmem:s1+$0x4080];
	v7 =	vmul.f32 $1.442695020e+00, v7;
	v9 =	vadd.f32 v13, v9;
	v13 =	vmul.f32 v4, v4  }
0x157: {  	s19 =	simm.s32 $0x60;
	v6 =	vmul.f32 v6, v2;
	v15 =	vmul.f32 v5, v5  }
0x158: {  	s20 =	simm.s32 $0xC0;
	s8 =	simm.s32 $0x12010;
	s9 =	simm.s32 $0x70;
	v9 =	vmul.f32 $-5.000000000e-01, v9;
	v8 =	vmul.f32 v8, v3  }
0x159: {  	s4 =	sand.u32 $0x60, s19;
	s7 =	sand.u32 $0x3F00, s20;
	s21 =	sand.u32 $0x70, s9;
	v14 =	vmul.f32 v14, v2;
	(erf) = vpow2.f32 v7;
	v7 =	vadd.f32 v6, v1  }
0x15a: {  	s19 =	sor.u32 s4, s7;
	s4 =	sor.u32 s7, s21;
	v18 =	vld [tilespmem:s8+$0xFFFFFFF0];
	v13 =	vadd.f32 v15, v13;
	v15 =	vmul.f32 $1.442695020e+00, v9;
	v9 =	vadd.f32 v8, v0  }
0x15b: {  	v6 =	vadd.f32 v14, v1;
	v14 =	vld [tilespmem:s4+$0x4000];
	v8 =	vmul.f32 v12, v3  }
0x15c: {  	v12 =	vld [tilespmem:s19+$0x4000];
	v21 =	vmul.f32 v7, v7;
	v22 =	vmul.f32 v9, v9  }
0x15d: {  	v13 =	vmul.f32 $-5.000000000e-01, v13;
	(erf) = vpow2.f32 v15;
	v15 =	vld [tilespmem:s19+$0x4080]  }
0x15e: {  	v8 =	vadd.f32 v8, v0;
	v24 =	vpop (erf);
	v21 =	vadd.f32 v22, v21  }
0x15f: {  	v23 =	vld [tilespmem:s8+$0x0];
	v13 =	vmul.f32 $1.442695020e+00, v13;
	vm13 =	vgt.f32 v24, v18;
	v18 =	vmul.f32 v6, v6  }
0x160: {  	v22 =	vld [tilespmem:s4+$0x4080];
	v24 =	vmul.f32 v8, v8;
	v25 =	vnsel vm13, $0x0, v11;
	v11 =	vmul.f32 $-5.000000000e-01, v21  }
0x161: {  	s24 =	simm.s32 $0x12030;
	(erf) = vpow2.f32 v13;
	v26 =	vnsel vm13, $0x0, v10;
	v10 =	vmul.f32 v12, v2  }
0x162: {  	v21 =	vld [tilespmem:s24+$0xFFFFFFF0];
	v12 =	vmul.f32 v15, v3;
	v15 =	vadd.f32 v24, v18;
	v18 =	vmul.f32 v14, v2  }
0x163: {  	s20 =	simm.s32 $0x80;
	s21 =	simm.s32 $0x100;
	v13 =	vpop (erf)  }
0x164: {  	s9 =	sand.u32 $0x3F00, s21;
	s8 =	sand.u32 $0x60, s20;
	v24 =	vmul.f32 $1.442695020e+00, v11;
	v10 =	vadd.f32 v10, v1;
	vm14 =	vgt.f32 v13, v23  }
0x165: {  	s20 =	sor.u32 s8, s9;
	v14 =	vld [tilespmem:s24+$0x0];
	s24 =	simm.s32 $0x90;
	v13 =	vadd.f32 v12, v0;
	v12 =	vmul.f32 v22, v3;
	v22 =	vmul.f32 $-5.000000000e-01, v15  }
0x166: {  	[tilespmem:s5+$0xC080] =	vst v25;
	s7 =	sand.u32 $0x70, s24;
	v11 =	vadd.f32 v18, v1;
	v15 =	vld [tilespmem:s20+$0x4000];
	v23 =	vmul.f32 v10, v10;
	(erf) = vpow2.f32 v24;
	v18 =	vpop (erf)  }
0x167: {  	[tilespmem:s5+$0xC000] =	vst v26;
	s5 =	sor.u32 s9, s7;
	v25 =	vmul.f32 v13, v13;
	v22 =	vmul.f32 $1.442695020e+00, v22;
	vm15 =	vgt.f32 v18, v21;
	v18 =	vld [tilespmem:s20+$0x4080]  }
0x168: {  	v12 =	vadd.f32 v12, v0;
	v21 =	vnsel vm15, $0x0, v17;
	v17 =	vld [tilespmem:s5+$0x4000]  }
0x169: {  	v24 =	vadd.f32 v25, v23;
	v25 =	vnsel vm15, $0x0, v19;
	v19 =	vld [tilespmem:s5+$0x4080];
	[tilespmem:s6+$0xC080] =	vst v21  }
0x16a: {  	v23 =	vmul.f32 v12, v12;
	v21 =	vmul.f32 v11, v11;
	[tilespmem:s6+$0xC000] =	vst v25;
	s6 =	simm.s32 $0x12050;
	v25 =	vnsel vm14, $0x0, v16  }
0x16b: {  	s8 =	simm.s32 $0xB0;
	s7 =	simm.s32 $0x8;
	v20 =	vnsel vm14, $0x0, v20;
	(erf) = vpow2.f32 v22;
	v24 =	vmul.f32 $-5.000000000e-01, v24;
	v16 =	vld [tilespmem:s6+$0xFFFFFFF0];
	v22 =	vpop (erf);
	[tilespmem:s17+$0xC000] =	vst v25  }
.LBB2_8:
0x16c: {  	s9 =	sadd.s32 $0xFFFFFFF0, s8;
	s24 =	sand.u32 $0x70, s8;
	v15 =	vmul.f32 v15, v2;
	v18 =	vmul.f32 v18, v3;
	s21 =	sadd.s32 $0x40, s21;
	v21 =	vadd.f32 v23, v21;
	v23 =	vld [tilespmem:s6+$0x0];
	[tilespmem:s17+$0xC080] =	vst v20  }
0x16d: {  	s7 =	sadd.s32 $0x2, s7;
	vm0 =	vgt.f32 v22, v14;
	v25 =	vmovc v11;
	v22 =	vmovc v5;
	s9 =	sand.u32 $0x60, s9;
	s17 =	sand.u32 $0x3F00, s21;
	v17 =	vmul.f32 v17, v2;
	v20 =	vmul.f32 $1.442695020e+00, v24  }
0x16e: {  	v5 =	vmovc v8;
	p0 =	slt.u32 s7, $0x1FE;
	s9 =	sor.u32 s9, s17;
	s24 =	sor.u32 s17, s24;
	v24 =	vadd.f32 v15, v1;
	v26 =	vadd.f32 v18, v0;
	v19 =	vmul.f32 v19, v3  }
0x16f: {  	v27 =	vmul.f32 $-5.000000000e-01, v21;
	s17 =	smov.u32 s0;
	s0 =	smov.u32 s1;
	s1 =	smov.u32 s4;
	v15 =	vld [tilespmem:s9+$0x4000];
	v11 =	vadd.f32 v17, v1;
	(erf) = vpow2.f32 v20;
	v8 =	vpop (erf)  }
.Ltmp3:
0x170: {  	s4 =	smov.u32 s5;
	s5 =	smov.u32 s24;
	v18 =	vld [tilespmem:s9+$0x4080];
	v20 =	vmul.f32 v24, v24;
	v28 =	vmul.f32 v26, v26;
	vm1 =	vgt.f32 v8, v16;
	v8 =	vmovc v12;
	(pc) =	sbr.rel @p0 .LBB2_8-.Ltmp3, $4  }
0x171: {  	v12 =	vadd.f32 v19, v0;
	v17 =	vld [tilespmem:s5+$0x4000];
	v21 =	vmul.f32 v11, v11;
	v16 =	vnsel vm1, $0x0, v9;
	v14 =	vmovc v23;
	v9 =	vmovc v13  }
0x172: {  	v27 =	vmul.f32 $1.442695020e+00, v27;
	v30 =	vnsel vm1, $0x0, v7;
	v7 =	vmovc v10;
	v10 =	vmovc v24;
	v19 =	vld [tilespmem:s5+$0x4080];
	v28 =	vadd.f32 v28, v20;
	[tilespmem:s3+$0xC080] =	vst v16  }
0x173: {  	s6 =	sadd.s32 $0x20, s6;
	v29 =	vnsel vm0, $0x0, v4;
	v4 =	vmovc v6;
	v13 =	vmovc v26;
	v23 =	vmul.f32 v12, v12;
	v20 =	vnsel vm0, $0x0, v22;
	[tilespmem:s3+$0xC000] =	vst v30;
	s3 =	smov.u32 s19;
	s19 =	smov.u32 s20  }
0x174: {  	s8 =	sadd.s32 $0x20, s8;
	v6 =	vmov v25;
	s20 =	smov.u32 s9;
	v24 =	vmul.f32 $-5.000000000e-01, v28;
	v16 =	vld [tilespmem:s6+$0xFFFFFFF0];
	(erf) = vpow2.f32 v27;
	v22 =	vpop (erf);
	[tilespmem:s17+$0xC000] =	vst v29  }
0x175: {  	v15 =	vmul.f32 v15, v2;
	v18 =	vmul.f32 v18, v3  }
0x176: {  	v34 =	vmul.f32 v17, v2  }
0x177: {  	v15 =	vadd.f32 v15, v1;
	v18 =	vadd.f32 v18, v0;
	v35 =	vmul.f32 v19, v3  }
0x178: {  	v36 =	vadd.f32 v23, v21;
	v40 =	vadd.f32 v34, v1  }
0x179: {  	v37 =	vmul.f32 v15, v15;
	v38 =	vmul.f32 v18, v18;
	v42 =	vadd.f32 v35, v0  }
0x17a: {  	v39 =	vmul.f32 $1.442695020e+00, v24;
	v41 =	vmul.f32 $-5.000000000e-01, v36  }
0x17b: {  	v44 =	vmul.f32 v40, v40;
	v43 =	vadd.f32 v38, v37;
	v45 =	vmul.f32 v42, v42  }
0x17c: {  	v2 =	vmul.f32 $1.442695020e+00, v41  }
0x17d: {  	(erf) = vpow2.f32 v39;
	v3 =	vmul.f32 $-5.000000000e-01, v43;
	v17 =	vadd.f32 v45, v44  }
0x17e: {  	(erf) = vpow2.f32 v2  }
0x17f: {  	v3 =	vmul.f32 $1.442695020e+00, v3;
	v46 =	vmul.f32 $-5.000000000e-01, v17  }
0x180: {  	v49 =	vld [tilespmem:s6+$0x0]  }
0x181: {  	s7 =	sadd.s32 $0x20, s6;
	vm1 =	vgt.f32 v22, v14;
	(erf) = vpow2.f32 v3;
	v2 =	vmul.f32 $1.442695020e+00, v46  }
0x182: {  	[tilespmem:s17+$0xC080] =	vst v20;
	v48 =	vld [tilespmem:s7+$0xFFFFFFF0];
	v4 =	vnsel vm1, $0x0, v4;
	v47 =	vpop (erf)  }
0x183: {  	v5 =	vnsel vm1, $0x0, v5;
	[tilespmem:s0+$0xC000] =	vst v4;
	vm0 =	vgt.f32 v47, v16;
	(erf) = vpow2.f32 v2  }
0x184: {  	v53 =	vld [tilespmem:s7+$0x0];
	[tilespmem:s0+$0xC080] =	vst v5;
	v9 =	vnsel vm0, $0x0, v9;
	v50 =	vpop (erf)  }
0x185: {  	s21 =	sadd.s32 $0x20, s7;
	v7 =	vnsel vm0, $0x0, v7;
	[tilespmem:s3+$0xC080] =	vst v9;
	vm12 =	vgt.f32 v50, v49  }
0x186: {  	v52 =	vld [tilespmem:s21+$0xFFFFFFF0];
	[tilespmem:s3+$0xC000] =	vst v7;
	v57 =	vnsel vm12, $0x0, v6;
	v51 =	vpop (erf)  }
0x187: {  	v8 =	vnsel vm12, $0x0, v8;
	[tilespmem:s1+$0xC000] =	vst v57;
	vm11 =	vgt.f32 v51, v48  }
0x188: {  	v58 =	vld [tilespmem:s21+$0x0];
	[tilespmem:s1+$0xC080] =	vst v8;
	v54 =	vnsel vm11, $0x0, v13;
	v56 =	vpop (erf)  }
0x189: {  	v55 =	vnsel vm11, $0x0, v10;
	[tilespmem:s19+$0xC080] =	vst v54;
	vm14 =	vgt.f32 v56, v53  }
0x18a: {  	[tilespmem:s19+$0xC000] =	vst v55;
	v62 =	vnsel vm14, $0x0, v11;
	v59 =	vpop (erf)  }
0x18b: {  	v4 =	vnsel vm14, $0x0, v12;
	[tilespmem:s4+$0xC000] =	vst v62;
	vm13 =	vgt.f32 v59, v52  }
0x18c: {  	[tilespmem:s4+$0xC080] =	vst v4;
	v60 =	vnsel vm13, $0x0, v18;
	v63 =	vpop (erf)  }
0x18d: {  	v61 =	vnsel vm13, $0x0, v15;
	[tilespmem:s20+$0xC080] =	vst v60;
	vm15 =	vgt.f32 v63, v58  }
0x18e: {  	[tilespmem:s20+$0xC000] =	vst v61;
	v1 =	vnsel vm15, $0x0, v40  }
0x18f: {  	v0 =	vnsel vm15, $0x0, v42;
	[tilespmem:s5+$0xC000] =	vst v1  }
0x190: {  	s24 =	simm.s32 $0xC000;
	s31 =	sadd.s32 $0x1, s31;
	[tilespmem:s5+$0xC080] =	vst v0  }
0x191: {  	[hbm4b:s15+s2] =	stream.linear.scatter [tilespmem:s24], [sflag:$0x6], $0x4000, $0x38;
	[tilespmem:$0x14040] =	vst v63  }
0x192: {  	p0 =	sne.s32 s31, s16;
	_ =	swait.ge [sflag:s29], $0x4000  }
.Ltmp4:
0x193: {  	[sflag:s29] =	ssyncset.done $0x0;
	(pc) =	sbr.rel @p0 .LBB2_1-.Ltmp4, $4  }
0x194: {  	[sflag:s29] =	ssyncadd.s32 $0xFFFFC000  }
0x195: {  	_ =	swait.ge [sflag:s30], $0x4000  }
0x196: {  	[sflag:s30] =	ssyncset.done $0x0  }
0x197: {  	[sflag:s30] =	ssyncadd.s32 $0xFFFFC000  }
0x198: {  	_ =	sfence.sel $0x180000  }
0x199: {  	[bflag:$0x0] =	sbarrier.arrive $0xFFFF  }
0x19a: {  	_ =	strace $0x90000047  }
0x19b: {  	s0 =	stileid.u32;
	[bflag:$0x2] =	sbarrier.arrive $0xFFFF  }
0x19c: {  	p0 =	sne.s32 s0, $0x0;
	s0 =	rddreg [dreg:$0x4]  }
0x19d: {  	s0 =	sadd.s32 @!p0 $0x100000, s0  }
0x19e: {  	[sflag:s0] =	ssyncadd.tile.s32 @!p0 $0x1;
	_ =	shalt  }
.Lfunc_end2:
_tile_overlayer_lowered:
.L_overlay_start_2:
0x19f: {  	(tag) =	ssettag $0x2  }
0x1a0: {  	s0 =	rddreg [dreg:$0x0];
	s2 =	stileid.u32  }
0x1a1: {  	s1 =	rddreg [dreg:$0x1];
	p0 =	sne.s32 s2, $0x0  }
0x1a2: {  	s3 =	rddreg [dreg:$0x2];
	[bflag:$0x3] =	sbarrier.arrive $0xFFFF;
	s2 =	simm.s32 @!p0 $0x1C07  }
0x1a3: {  	[timem:s3], [sflag:s2] =	dma.local @!p0 [hbm:s0], s1  }
0x1a4: {  	s0 =	simm.s32 @!p0 $0x7  }
0x1a5: {  	_ =	swait.ge @!p0 [sflag:s0], s1  }
0x1a6: {  	s1 =	ssub.s32 @!p0 $0x0, s1;
	[sflag:s0] =	ssyncset.done @!p0 $0x0  }
0x1a7: {  	[sflag:s0] =	ssyncadd.s32 @!p0 s1  }
0x1a8: {  	[bflag:$0x3] =	sbarrier.arrive $0xFFFF  }
0x1a9: {  	_ =	shalt  }

</sc_bundles>
